<compile_context>
chip_gen: v7x
topology: tpu7x:2x2x1
jax: 0.10.2.dev20260603
libtpu: 0.0.44.dev20260713+nightly
codegen_flags: <defaults>
</compile_context>

<pallas_src>
import functools

import numpy as np
import jax
import jax.numpy as jnp
from jax import lax
from jax.experimental import pallas as pl
from jax.experimental.pallas import tpu as pltpu
from jax.experimental.pallas import tpu_sc as plsc

_N_BINS = 15
_BLOCK_R = 16384

_bounds = np.linspace(0.0, 1.0, _N_BINS + 1, dtype=np.float32)
_UPPERS = [float(v) for v in _bounds[1:15]]


def _rows_kernel(x_ref, lab_ref, conf_ref, acc_ref):
    x = x_ref[...]
    c = x.shape[1]
    m = jnp.max(x, axis=1, keepdims=True)
    ez = jnp.exp(x - m)
    eqb = (x == m).astype(jnp.bfloat16)

    ez_hi = ez.astype(jnp.bfloat16)
    ez_lo = (ez - ez_hi.astype(jnp.float32)).astype(jnp.bfloat16)
    ones_row = jnp.ones((1, c), jnp.bfloat16)
    iota_row = lax.broadcasted_iota(jnp.int32, (1, c), 1).astype(jnp.bfloat16)
    dn = (((1,), (1,)), ((), ()))
    s = (lax.dot_general(ones_row, ez_hi, dn, preferred_element_type=jnp.float32)
         + lax.dot_general(ones_row, ez_lo, dn, preferred_element_type=jnp.float32))
    pred = lax.dot_general(iota_row, eqb, dn, preferred_element_type=jnp.float32)
    conf_ref[...] = (1.0 / s).reshape(conf_ref.shape)
    lab = lab_ref[0].astype(jnp.float32)
    acc_ref[...] = (pred == lab).astype(jnp.float32).reshape(acc_ref.shape)


def _bin_kernel(conf_hbm, acc_hbm, out_hbm, cbuf, abuf, bidx, obuf,
                cnt_sh, cf_sh, ac_sh):
    info = plsc.get_sparse_core_info()
    nw = info.num_cores * info.num_subcores
    sid = lax.axis_index("s")
    cid = lax.axis_index("c")
    wid = sid * info.num_cores + cid
    rpw = conf_hbm.shape[0] // nw
    base = wid * rpw
    pltpu.sync_copy(conf_hbm.at[pl.ds(base, rpw)], cbuf)
    pltpu.sync_copy(acc_hbm.at[pl.ds(base, rpw)], abuf)

    obuf[...] = jnp.zeros((16,), jnp.float32)

    @pl.when(sid == 0)
    def _init_shared():
        pltpu.sync_copy(obuf, cnt_sh)
        pltpu.sync_copy(obuf, cf_sh)
        pltpu.sync_copy(obuf, ac_sh)

    plsc.subcore_barrier()
    obuf[...] = jnp.ones((16,), jnp.float32)

    @pl.loop(0, rpw // 16)
    def _per_group(g):
        conf = cbuf[pl.ds(g * 16, 16)]
        b = jnp.zeros((16,), jnp.int32)
        for u in _UPPERS:
            b = b + jnp.where(conf > u, 1, 0).astype(jnp.int32)
        bidx[0, pl.ds(g * 16, 16)] = b

    @pl.loop(0, rpw // 16)
    def _per_scatter(g):
        idx = bidx.at[0, pl.ds(g * 16, 16)]
        pltpu.sync_copy(obuf, cnt_sh.at[idx], add=True)
        pltpu.sync_copy(cbuf.at[pl.ds(g * 16, 16)], cf_sh.at[idx], add=True)
        pltpu.sync_copy(abuf.at[pl.ds(g * 16, 16)], ac_sh.at[idx], add=True)

    plsc.subcore_barrier()

    @pl.when(sid == 0)
    def _flush():
        pltpu.sync_copy(cnt_sh, obuf)
        pltpu.sync_copy(obuf, out_hbm.at[pl.ds(cid * 48, 16)])
        pltpu.sync_copy(cf_sh, obuf)
        pltpu.sync_copy(obuf, out_hbm.at[pl.ds(cid * 48 + 16, 16)])
        pltpu.sync_copy(ac_sh, obuf)
        pltpu.sync_copy(obuf, out_hbm.at[pl.ds(cid * 48 + 32, 16)])


def _combine_kernel(st_ref, out_ref, *, inv_n):
    st = st_ref[...]
    tot = jnp.sum(st, axis=0, keepdims=True)
    cb = tot[:, 0:15]
    sconf = tot[:, 16:31]
    sacc = tot[:, 32:47]
    safe = jnp.maximum(cb, 1.0)
    contrib = jnp.abs(sconf - sacc) / safe * (cb * inv_n)
    contrib = jnp.where(cb > 0.0, contrib, 0.0)
    out_ref[...] = jnp.sum(contrib, axis=1, keepdims=True)


def kernel(logits_input, labels_input):
    n, c = logits_input.shape
    grid = n // _BLOCK_R
    labels = labels_input.astype(jnp.int32).reshape(grid, 1, _BLOCK_R)
    conf, acc = pl.pallas_call(
        _rows_kernel,
        grid=(grid,),
        in_specs=[
            pl.BlockSpec((_BLOCK_R, c), lambda i: (i, 0)),
            pl.BlockSpec((1, 1, _BLOCK_R), lambda i: (i, 0, 0)),
        ],
        out_specs=[pl.BlockSpec((1, 1, _BLOCK_R), lambda i: (i, 0, 0)),
                   pl.BlockSpec((1, 1, _BLOCK_R), lambda i: (i, 0, 0))],
        out_shape=[jax.ShapeDtypeStruct((grid, 1, _BLOCK_R), jnp.float32),
                   jax.ShapeDtypeStruct((grid, 1, _BLOCK_R), jnp.float32)],
    )(logits_input, labels)

    info = plsc.get_sparse_core_info()
    nw = info.num_cores * info.num_subcores
    rpw = n // nw
    mesh = plsc.VectorSubcoreMesh(core_axis_name="c", subcore_axis_name="s", num_cores=info.num_cores)
    stats = pl.kernel(
        _bin_kernel,
        mesh=mesh,
        out_type=jax.ShapeDtypeStruct((info.num_cores * 48,), jnp.float32),
        scratch_types=[
            pltpu.VMEM((rpw,), jnp.float32),
            pltpu.VMEM((rpw,), jnp.float32),
            pltpu.VMEM((1, rpw), jnp.int32),
            pltpu.VMEM((16,), jnp.float32),
            pltpu.VMEM_SHARED((16,), jnp.float32),
            pltpu.VMEM_SHARED((16,), jnp.float32),
            pltpu.VMEM_SHARED((16,), jnp.float32),
        ],
    )(conf.reshape(n), acc.reshape(n))

    out = pl.pallas_call(
        functools.partial(_combine_kernel, inv_n=1.0 / n),
        grid=(1,),
        in_specs=[pl.BlockSpec((2, 48), lambda i: (0, 0))],
        out_specs=pl.BlockSpec((1, 1), lambda i: (0, 0)),
        out_shape=jax.ShapeDtypeStruct((1, 1), jnp.float32),
    )(stats.reshape(info.num_cores, 48))
    return out.reshape(1)

# --- scband reference (transcript-rebuilt; emitter-appended) ---
"""Pipeline reference for scband-eceloss-17291538334366 (READ-ONLY COPY).

The authoritative reference and input builder live on the scoring server;
editing this copy changes nothing except your own understanding.
"""

import jax, jax.numpy as jnp
import numpy as np

N_BINS = 15


def setup_inputs(seed: int = 0) -> dict:
    key = jax.random.key(seed)
    k1, k2 = jax.random.split(key)
    logits_input = jax.random.normal(k1, (524288, 100), dtype=jnp.float32)
    labels_input = jax.random.randint(k2, (524288,), 0, 100, dtype=jnp.int64)
    return {"logits_input": logits_input, "labels_input": labels_input}


def reference(logits_input, labels_input):
    logits = logits_input
    labels = labels_input
    # multi-class branch (logits.shape[1] > 1)
    softmaxes = jax.nn.softmax(logits, axis=1)
    confidences = jnp.max(softmaxes, axis=1)
    predictions = jnp.argmax(softmaxes, axis=1)
    accuracies = (predictions == labels).astype(jnp.float32)

    bin_boundaries = np.linspace(0.0, 1.0, N_BINS + 1, dtype=np.float32)
    bin_lowers = bin_boundaries[:-1].copy()
    bin_uppers = bin_boundaries[1:].copy()
    bin_lowers[0] = bin_lowers[0] - 1e-06

    n = confidences.shape[0]
    ece = jnp.zeros((1,), dtype=jnp.float32)
    for i in range(N_BINS):
        lo = float(bin_lowers[i])
        up = float(bin_uppers[i])
        in_bin = (confidences > lo) & (confidences <= up)
        in_bin_f = in_bin.astype(jnp.float32)
        count = jnp.sum(in_bin_f)
        prop_in_bin = count / n
        safe_count = jnp.maximum(count, 1.0)
        accuracy_in_bin = jnp.sum(accuracies * in_bin_f) / safe_count
        avg_confidence_in_bin = jnp.sum(confidences * in_bin_f) / safe_count
        contrib = jnp.abs(avg_confidence_in_bin - accuracy_in_bin) * prop_in_bin
        ece = ece + jnp.where(count > 0, contrib, 0.0)
    return ece

if __name__ == "__main__":
    import jax
    _d = setup_inputs()
    print(jax.jit(kernel)(*tuple(_d.values())))

</pallas_src>

<mosaic_0001>
#map = affine_map<(d0, d1) -> (0)>
module attributes {stable_mosaic.version = 14 : i64} {
  func.func @_bin_kernel(%arg0: i32, %arg1: i32, %arg2: memref<524288xf32, #tpu.memory_space<hbm>>, %arg3: memref<524288xf32, #tpu.memory_space<hbm>>, %arg4: memref<96xf32, #tpu.memory_space<hbm>>, %arg5: memref<16384xf32, #tpu.memory_space<vmem>>, %arg6: memref<16384xf32, #tpu.memory_space<vmem>>, %arg7: memref<1x16384xi32, #tpu.memory_space<vmem>>, %arg8: memref<16xf32, #tpu.memory_space<vmem>>, %arg9: memref<16xf32, #tpu.memory_space<vmem_shared>>, %arg10: memref<16xf32, #tpu.memory_space<vmem_shared>>, %arg11: memref<16xf32, #tpu.memory_space<vmem_shared>>) attributes {dimension_semantics = [#tpu.dimension_semantics<core_parallel>, #tpu.dimension_semantics<subcore_parallel>], iteration_bounds = array<i64: 2, 16>, scalar_prefetch = 0 : i64, scratch_operands = 7 : i64, tpu.core_type = #tpu.core_type<sc_vector_subcore>, window_params = [{transform_indices = #map}, {transform_indices = #map}, {transform_indices = #map}]} {
    %mul3A = arith.constant 2 : i32
    %mul3A_0 = arith.muli %arg1, %mul3A : i32
    %add3A = arith.addi %mul3A_0, %arg0 : i32
    %mul3A_1 = arith.constant 16384 : i32
    %mul3A_2 = arith.muli %add3A, %mul3A_1 : i32
    "tpu.region"() ({
      %run_scoped3A = tpu.sem_alloc : memref<!tpu.dma_semaphore, #tpu.memory_space<semaphore_mem>>
      %dma_start3A = tpu.memref_slice %arg2[%mul3A_2] : memref<524288xf32, #tpu.memory_space<hbm>> -> memref<16384xf32, #tpu.memory_space<hbm>>
      %dma_start3A_30 = tpu.memref_slice %arg2[%mul3A_2] : memref<524288xf32, #tpu.memory_space<hbm>> -> memref<16384xf32, #tpu.memory_space<hbm>>
      tpu.enqueue_dma source(%dma_start3A_30 : memref<16384xf32, #tpu.memory_space<hbm>>) target(%arg5 : memref<16384xf32, #tpu.memory_space<vmem>>) target_semaphore(%run_scoped3A : memref<!tpu.dma_semaphore, #tpu.memory_space<semaphore_mem>>)
      %dma_wait3A = tpu.memref_slice %arg2[%mul3A_2] : memref<524288xf32, #tpu.memory_space<hbm>> -> memref<16384xf32, #tpu.memory_space<hbm>>
      %dma_wait3A_31 = tpu.memref_slice %arg2[%mul3A_2] : memref<524288xf32, #tpu.memory_space<hbm>> -> memref<16384xf32, #tpu.memory_space<hbm>>
      tpu.wait_dma2 semaphore(%run_scoped3A : memref<!tpu.dma_semaphore, #tpu.memory_space<semaphore_mem>>) src(%dma_wait3A_31 : memref<16384xf32, #tpu.memory_space<hbm>>) dst(%arg5 : memref<16384xf32, #tpu.memory_space<vmem>>)
      tpu.yield
    }) : () -> ()
    "tpu.region"() ({
      %run_scoped3A = tpu.sem_alloc : memref<!tpu.dma_semaphore, #tpu.memory_space<semaphore_mem>>
      %dma_start3A = tpu.memref_slice %arg3[%mul3A_2] : memref<524288xf32, #tpu.memory_space<hbm>> -> memref<16384xf32, #tpu.memory_space<hbm>>
      %dma_start3A_30 = tpu.memref_slice %arg3[%mul3A_2] : memref<524288xf32, #tpu.memory_space<hbm>> -> memref<16384xf32, #tpu.memory_space<hbm>>
      tpu.enqueue_dma source(%dma_start3A_30 : memref<16384xf32, #tpu.memory_space<hbm>>) target(%arg6 : memref<16384xf32, #tpu.memory_space<vmem>>) target_semaphore(%run_scoped3A : memref<!tpu.dma_semaphore, #tpu.memory_space<semaphore_mem>>)
      %dma_wait3A = tpu.memref_slice %arg3[%mul3A_2] : memref<524288xf32, #tpu.memory_space<hbm>> -> memref<16384xf32, #tpu.memory_space<hbm>>
      %dma_wait3A_31 = tpu.memref_slice %arg3[%mul3A_2] : memref<524288xf32, #tpu.memory_space<hbm>> -> memref<16384xf32, #tpu.memory_space<hbm>>
      tpu.wait_dma2 semaphore(%run_scoped3A : memref<!tpu.dma_semaphore, #tpu.memory_space<semaphore_mem>>) src(%dma_wait3A_31 : memref<16384xf32, #tpu.memory_space<hbm>>) dst(%arg6 : memref<16384xf32, #tpu.memory_space<vmem>>)
      tpu.yield
    }) : () -> ()
    %broadcast_in_dim3A = arith.constant 0.000000e+00 : f32
    %broadcast_in_dim3A_3 = vector.broadcast %broadcast_in_dim3A : f32 to vector<16xf32>
    %swap3A = arith.constant 0 : index
    %swap3A_4 = tpu.vector_load %arg8[%swap3A] {strides = array<i32>} : memref<16xf32, #tpu.memory_space<vmem>>, vector<16xf32>,
    %swap3A_5 = vector.shape_cast %swap3A_4 : vector<16xf32> to vector<16xf32>
    %swap3A_6 = vector.shape_cast %broadcast_in_dim3A_3 : vector<16xf32> to vector<16xf32>
    tpu.vector_store %arg8[%swap3A], %swap3A_6 {strides = array<i32>} : memref<16xf32, #tpu.memory_space<vmem>>, vector<16xf32>,
    %eq3A = arith.constant 0 : i32
    %eq3A_7 = arith.cmpi eq, %arg1, %eq3A : i32
    %convert_element_type3A = arith.extui %eq3A_7 : i1 to i32
    %cond3A = arith.constant 0 : i32
    %cond3A_8 = arith.cmpi ne, %convert_element_type3A, %cond3A : i32
    scf.if %cond3A_8 {
      "tpu.region"() ({
        %run_scoped3A = tpu.sem_alloc : memref<!tpu.dma_semaphore, #tpu.memory_space<semaphore_mem>>
        tpu.enqueue_dma source(%arg8 : memref<16xf32, #tpu.memory_space<vmem>>) target(%arg9 : memref<16xf32, #tpu.memory_space<vmem_shared>>) target_semaphore(%run_scoped3A : memref<!tpu.dma_semaphore, #tpu.memory_space<semaphore_mem>>)
        tpu.wait_dma2 semaphore(%run_scoped3A : memref<!tpu.dma_semaphore, #tpu.memory_space<semaphore_mem>>) src(%arg8 : memref<16xf32, #tpu.memory_space<vmem>>) dst(%arg9 : memref<16xf32, #tpu.memory_space<vmem_shared>>)
        tpu.yield
      }) : () -> ()
      "tpu.region"() ({
        %run_scoped3A = tpu.sem_alloc : memref<!tpu.dma_semaphore, #tpu.memory_space<semaphore_mem>>
        tpu.enqueue_dma source(%arg8 : memref<16xf32, #tpu.memory_space<vmem>>) target(%arg10 : memref<16xf32, #tpu.memory_space<vmem_shared>>) target_semaphore(%run_scoped3A : memref<!tpu.dma_semaphore, #tpu.memory_space<semaphore_mem>>)
        tpu.wait_dma2 semaphore(%run_scoped3A : memref<!tpu.dma_semaphore, #tpu.memory_space<semaphore_mem>>) src(%arg8 : memref<16xf32, #tpu.memory_space<vmem>>) dst(%arg10 : memref<16xf32, #tpu.memory_space<vmem_shared>>)
        tpu.yield
      }) : () -> ()
      "tpu.region"() ({
        %run_scoped3A = tpu.sem_alloc : memref<!tpu.dma_semaphore, #tpu.memory_space<semaphore_mem>>
        tpu.enqueue_dma source(%arg8 : memref<16xf32, #tpu.memory_space<vmem>>) target(%arg11 : memref<16xf32, #tpu.memory_space<vmem_shared>>) target_semaphore(%run_scoped3A : memref<!tpu.dma_semaphore, #tpu.memory_space<semaphore_mem>>)
        tpu.wait_dma2 semaphore(%run_scoped3A : memref<!tpu.dma_semaphore, #tpu.memory_space<semaphore_mem>>) src(%arg8 : memref<16xf32, #tpu.memory_space<vmem>>) dst(%arg11 : memref<16xf32, #tpu.memory_space<vmem_shared>>)
        tpu.yield
      }) : () -> ()
    } else {
    }
    %barrier3A = arith.constant 0 : index
    tpu.barrier barrier_id(%barrier3A)
    %broadcast_in_dim3A_9 = arith.constant 1.000000e+00 : f32
    %broadcast_in_dim3A_10 = vector.broadcast %broadcast_in_dim3A_9 : f32 to vector<16xf32>
    %swap3A_11 = arith.constant 0 : index
    %swap3A_12 = tpu.vector_load %arg8[%swap3A_11] {strides = array<i32>} : memref<16xf32, #tpu.memory_space<vmem>>, vector<16xf32>,
    %swap3A_13 = vector.shape_cast %swap3A_12 : vector<16xf32> to vector<16xf32>
    %swap3A_14 = vector.shape_cast %broadcast_in_dim3A_10 : vector<16xf32> to vector<16xf32>
    tpu.vector_store %arg8[%swap3A_11], %swap3A_14 {strides = array<i32>} : memref<16xf32, #tpu.memory_space<vmem>>, vector<16xf32>,
    %scan3A = arith.constant 0 : i32
    %scan3A_15 = arith.constant 1024 : i32
    %scan3A_16 = arith.addi %scan3A, %scan3A_15 : i32
    %scan3A_17 = arith.constant 1 : i32
    scf.for %scan3A_30 = %scan3A to %scan3A_16 step %scan3A_17  : i32 {
      %mul3A_31 = arith.constant 1 : i32
      %mul3A_32 = arith.muli %scan3A_30, %mul3A_31 : i32
      %add3A_33 = arith.constant 0 : i32
      %add3A_34 = arith.addi %add3A_33, %mul3A_32 : i32
      %mul3A_35 = arith.constant 16 : i32
      %mul3A_36 = arith.muli %add3A_34, %mul3A_35 : i32
      %get3A = arith.index_cast %mul3A_36 : i32 to index
      %get3A_37 = tpu.vector_load %arg5[%get3A] {strides = array<i32>} : memref<16384xf32, #tpu.memory_space<vmem>>, vector<16xf32>,
      %get3A_38 = vector.shape_cast %get3A_37 : vector<16xf32> to vector<16xf32>
      %broadcast_in_dim3A_39 = arith.constant 0 : i32
      %broadcast_in_dim3A_40 = vector.broadcast %broadcast_in_dim3A_39 : i32 to vector<16xi32>
      %gt3A = arith.constant 0.0666666701 : f32
      %gt3A_41 = vector.broadcast %gt3A : f32 to vector<16xf32>
      %gt3A_42 = arith.cmpf ogt, %get3A_38, %gt3A_41 : vector<16xf32>
      %jit3A = arith.constant 1 : i32
      %jit3A_43 = arith.constant 0 : i32
      %broadcast_in_dim3A_44 = vector.broadcast %jit3A : i32 to vector<16xi32>
      %broadcast_in_dim3A_45 = vector.broadcast %jit3A_43 : i32 to vector<16xi32>
      %select_n3A = arith.select %gt3A_42, %broadcast_in_dim3A_44, %broadcast_in_dim3A_45 : vector<16xi1>, vector<16xi32>
      %add3A_46 = arith.addi %broadcast_in_dim3A_40, %select_n3A : vector<16xi32>
      %gt3A_47 = arith.constant 0.13333334 : f32
      %gt3A_48 = vector.broadcast %gt3A_47 : f32 to vector<16xf32>
      %gt3A_49 = arith.cmpf ogt, %get3A_38, %gt3A_48 : vector<16xf32>
      %jit3A_50 = arith.constant 1 : i32
      %jit3A_51 = arith.constant 0 : i32
      %broadcast_in_dim3A_52 = vector.broadcast %jit3A_50 : i32 to vector<16xi32>
      %broadcast_in_dim3A_53 = vector.broadcast %jit3A_51 : i32 to vector<16xi32>
      %select_n3A_54 = arith.select %gt3A_49, %broadcast_in_dim3A_52, %broadcast_in_dim3A_53 : vector<16xi1>, vector<16xi32>
      %add3A_55 = arith.addi %add3A_46, %select_n3A_54 : vector<16xi32>
      %gt3A_56 = arith.constant 2.000000e-01 : f32
      %gt3A_57 = vector.broadcast %gt3A_56 : f32 to vector<16xf32>
      %gt3A_58 = arith.cmpf ogt, %get3A_38, %gt3A_57 : vector<16xf32>
      %jit3A_59 = arith.constant 1 : i32
      %jit3A_60 = arith.constant 0 : i32
      %broadcast_in_dim3A_61 = vector.broadcast %jit3A_59 : i32 to vector<16xi32>
      %broadcast_in_dim3A_62 = vector.broadcast %jit3A_60 : i32 to vector<16xi32>
      %select_n3A_63 = arith.select %gt3A_58, %broadcast_in_dim3A_61, %broadcast_in_dim3A_62 : vector<16xi1>, vector<16xi32>
      %add3A_64 = arith.addi %add3A_55, %select_n3A_63 : vector<16xi32>
      %gt3A_65 = arith.constant 0.266666681 : f32
      %gt3A_66 = vector.broadcast %gt3A_65 : f32 to vector<16xf32>
      %gt3A_67 = arith.cmpf ogt, %get3A_38, %gt3A_66 : vector<16xf32>
      %jit3A_68 = arith.constant 1 : i32
      %jit3A_69 = arith.constant 0 : i32
      %broadcast_in_dim3A_70 = vector.broadcast %jit3A_68 : i32 to vector<16xi32>
      %broadcast_in_dim3A_71 = vector.broadcast %jit3A_69 : i32 to vector<16xi32>
      %select_n3A_72 = arith.select %gt3A_67, %broadcast_in_dim3A_70, %broadcast_in_dim3A_71 : vector<16xi1>, vector<16xi32>
      %add3A_73 = arith.addi %add3A_64, %select_n3A_72 : vector<16xi32>
      %gt3A_74 = arith.constant 0.333333343 : f32
      %gt3A_75 = vector.broadcast %gt3A_74 : f32 to vector<16xf32>
      %gt3A_76 = arith.cmpf ogt, %get3A_38, %gt3A_75 : vector<16xf32>
      %jit3A_77 = arith.constant 1 : i32
      %jit3A_78 = arith.constant 0 : i32
      %broadcast_in_dim3A_79 = vector.broadcast %jit3A_77 : i32 to vector<16xi32>
      %broadcast_in_dim3A_80 = vector.broadcast %jit3A_78 : i32 to vector<16xi32>
      %select_n3A_81 = arith.select %gt3A_76, %broadcast_in_dim3A_79, %broadcast_in_dim3A_80 : vector<16xi1>, vector<16xi32>
      %add3A_82 = arith.addi %add3A_73, %select_n3A_81 : vector<16xi32>
      %gt3A_83 = arith.constant 4.000000e-01 : f32
      %gt3A_84 = vector.broadcast %gt3A_83 : f32 to vector<16xf32>
      %gt3A_85 = arith.cmpf ogt, %get3A_38, %gt3A_84 : vector<16xf32>
      %jit3A_86 = arith.constant 1 : i32
      %jit3A_87 = arith.constant 0 : i32
      %broadcast_in_dim3A_88 = vector.broadcast %jit3A_86 : i32 to vector<16xi32>
      %broadcast_in_dim3A_89 = vector.broadcast %jit3A_87 : i32 to vector<16xi32>
      %select_n3A_90 = arith.select %gt3A_85, %broadcast_in_dim3A_88, %broadcast_in_dim3A_89 : vector<16xi1>, vector<16xi32>
      %add3A_91 = arith.addi %add3A_82, %select_n3A_90 : vector<16xi32>
      %gt3A_92 = arith.constant 0.466666669 : f32
      %gt3A_93 = vector.broadcast %gt3A_92 : f32 to vector<16xf32>
      %gt3A_94 = arith.cmpf ogt, %get3A_38, %gt3A_93 : vector<16xf32>
      %jit3A_95 = arith.constant 1 : i32
      %jit3A_96 = arith.constant 0 : i32
      %broadcast_in_dim3A_97 = vector.broadcast %jit3A_95 : i32 to vector<16xi32>
      %broadcast_in_dim3A_98 = vector.broadcast %jit3A_96 : i32 to vector<16xi32>
      %select_n3A_99 = arith.select %gt3A_94, %broadcast_in_dim3A_97, %broadcast_in_dim3A_98 : vector<16xi1>, vector<16xi32>
      %add3A_100 = arith.addi %add3A_91, %select_n3A_99 : vector<16xi32>
      %gt3A_101 = arith.constant 0.533333361 : f32
      %gt3A_102 = vector.broadcast %gt3A_101 : f32 to vector<16xf32>
      %gt3A_103 = arith.cmpf ogt, %get3A_38, %gt3A_102 : vector<16xf32>
      %jit3A_104 = arith.constant 1 : i32
      %jit3A_105 = arith.constant 0 : i32
      %broadcast_in_dim3A_106 = vector.broadcast %jit3A_104 : i32 to vector<16xi32>
      %broadcast_in_dim3A_107 = vector.broadcast %jit3A_105 : i32 to vector<16xi32>
      %select_n3A_108 = arith.select %gt3A_103, %broadcast_in_dim3A_106, %broadcast_in_dim3A_107 : vector<16xi1>, vector<16xi32>
      %add3A_109 = arith.addi %add3A_100, %select_n3A_108 : vector<16xi32>
      %gt3A_110 = arith.constant 6.000000e-01 : f32
      %gt3A_111 = vector.broadcast %gt3A_110 : f32 to vector<16xf32>
      %gt3A_112 = arith.cmpf ogt, %get3A_38, %gt3A_111 : vector<16xf32>
      %jit3A_113 = arith.constant 1 : i32
      %jit3A_114 = arith.constant 0 : i32
      %broadcast_in_dim3A_115 = vector.broadcast %jit3A_113 : i32 to vector<16xi32>
      %broadcast_in_dim3A_116 = vector.broadcast %jit3A_114 : i32 to vector<16xi32>
      %select_n3A_117 = arith.select %gt3A_112, %broadcast_in_dim3A_115, %broadcast_in_dim3A_116 : vector<16xi1>, vector<16xi32>
      %add3A_118 = arith.addi %add3A_109, %select_n3A_117 : vector<16xi32>
      %gt3A_119 = arith.constant 0.666666686 : f32
      %gt3A_120 = vector.broadcast %gt3A_119 : f32 to vector<16xf32>
      %gt3A_121 = arith.cmpf ogt, %get3A_38, %gt3A_120 : vector<16xf32>
      %jit3A_122 = arith.constant 1 : i32
      %jit3A_123 = arith.constant 0 : i32
      %broadcast_in_dim3A_124 = vector.broadcast %jit3A_122 : i32 to vector<16xi32>
      %broadcast_in_dim3A_125 = vector.broadcast %jit3A_123 : i32 to vector<16xi32>
      %select_n3A_126 = arith.select %gt3A_121, %broadcast_in_dim3A_124, %broadcast_in_dim3A_125 : vector<16xi1>, vector<16xi32>
      %add3A_127 = arith.addi %add3A_118, %select_n3A_126 : vector<16xi32>
      %gt3A_128 = arith.constant 0.733333349 : f32
      %gt3A_129 = vector.broadcast %gt3A_128 : f32 to vector<16xf32>
      %gt3A_130 = arith.cmpf ogt, %get3A_38, %gt3A_129 : vector<16xf32>
      %jit3A_131 = arith.constant 1 : i32
      %jit3A_132 = arith.constant 0 : i32
      %broadcast_in_dim3A_133 = vector.broadcast %jit3A_131 : i32 to vector<16xi32>
      %broadcast_in_dim3A_134 = vector.broadcast %jit3A_132 : i32 to vector<16xi32>
      %select_n3A_135 = arith.select %gt3A_130, %broadcast_in_dim3A_133, %broadcast_in_dim3A_134 : vector<16xi1>, vector<16xi32>
      %add3A_136 = arith.addi %add3A_127, %select_n3A_135 : vector<16xi32>
      %gt3A_137 = arith.constant 8.000000e-01 : f32
      %gt3A_138 = vector.broadcast %gt3A_137 : f32 to vector<16xf32>
      %gt3A_139 = arith.cmpf ogt, %get3A_38, %gt3A_138 : vector<16xf32>
      %jit3A_140 = arith.constant 1 : i32
      %jit3A_141 = arith.constant 0 : i32
      %broadcast_in_dim3A_142 = vector.broadcast %jit3A_140 : i32 to vector<16xi32>
      %broadcast_in_dim3A_143 = vector.broadcast %jit3A_141 : i32 to vector<16xi32>
      %select_n3A_144 = arith.select %gt3A_139, %broadcast_in_dim3A_142, %broadcast_in_dim3A_143 : vector<16xi1>, vector<16xi32>
      %add3A_145 = arith.addi %add3A_136, %select_n3A_144 : vector<16xi32>
      %gt3A_146 = arith.constant 0.866666674 : f32
      %gt3A_147 = vector.broadcast %gt3A_146 : f32 to vector<16xf32>
      %gt3A_148 = arith.cmpf ogt, %get3A_38, %gt3A_147 : vector<16xf32>
      %jit3A_149 = arith.constant 1 : i32
      %jit3A_150 = arith.constant 0 : i32
      %broadcast_in_dim3A_151 = vector.broadcast %jit3A_149 : i32 to vector<16xi32>
      %broadcast_in_dim3A_152 = vector.broadcast %jit3A_150 : i32 to vector<16xi32>
      %select_n3A_153 = arith.select %gt3A_148, %broadcast_in_dim3A_151, %broadcast_in_dim3A_152 : vector<16xi1>, vector<16xi32>
      %add3A_154 = arith.addi %add3A_145, %select_n3A_153 : vector<16xi32>
      %gt3A_155 = arith.constant 0.933333337 : f32
      %gt3A_156 = vector.broadcast %gt3A_155 : f32 to vector<16xf32>
      %gt3A_157 = arith.cmpf ogt, %get3A_38, %gt3A_156 : vector<16xf32>
      %jit3A_158 = arith.constant 1 : i32
      %jit3A_159 = arith.constant 0 : i32
      %broadcast_in_dim3A_160 = vector.broadcast %jit3A_158 : i32 to vector<16xi32>
      %broadcast_in_dim3A_161 = vector.broadcast %jit3A_159 : i32 to vector<16xi32>
      %select_n3A_162 = arith.select %gt3A_157, %broadcast_in_dim3A_160, %broadcast_in_dim3A_161 : vector<16xi1>, vector<16xi32>
      %add3A_163 = arith.addi %add3A_154, %select_n3A_162 : vector<16xi32>
      %mul3A_164 = arith.constant 16 : i32
      %mul3A_165 = arith.muli %add3A_34, %mul3A_164 : i32
      %swap3A_166 = arith.constant 0 : i32
      %swap3A_167 = arith.index_cast %swap3A_166 : i32 to index
      %swap3A_168 = arith.index_cast %mul3A_165 : i32 to index
      %swap3A_169 = tpu.vector_load %arg7[%swap3A_167, %swap3A_168] {strides = array<i32>} : memref<1x16384xi32, #tpu.memory_space<vmem>>, vector<1x16xi32>,
      %swap3A_170 = vector.shape_cast %swap3A_169 : vector<1x16xi32> to vector<16xi32>
      %swap3A_171 = vector.shape_cast %add3A_163 : vector<16xi32> to vector<1x16xi32>
      tpu.vector_store %arg7[%swap3A_167, %swap3A_168], %swap3A_171 {strides = array<i32>} : memref<1x16384xi32, #tpu.memory_space<vmem>>, vector<1x16xi32>,
    }
    %scan3A_18 = arith.constant 1024 : i32
    %scan3A_19 = arith.constant 0 : i32
    %scan3A_20 = arith.constant 1024 : i32
    %scan3A_21 = arith.addi %scan3A_19, %scan3A_20 : i32
    %scan3A_22 = arith.constant 1 : i32
    scf.for %scan3A_30 = %scan3A_19 to %scan3A_21 step %scan3A_22  : i32 {
      %mul3A_31 = arith.constant 1 : i32
      %mul3A_32 = arith.muli %scan3A_30, %mul3A_31 : i32
      %add3A_33 = arith.constant 0 : i32
      %add3A_34 = arith.addi %add3A_33, %mul3A_32 : i32
      %mul3A_35 = arith.constant 16 : i32
      %mul3A_36 = arith.muli %add3A_34, %mul3A_35 : i32
      %run_scoped3A = arith.constant 0 : i32
      "tpu.region"() ({
        %run_scoped3A_43 = tpu.sem_alloc : memref<!tpu.dma_semaphore, #tpu.memory_space<semaphore_mem>>
        %dma_start3A = tpu.memref_slice %arg7[%run_scoped3A, %mul3A_36] : memref<1x16384xi32, #tpu.memory_space<vmem>> -> memref<1x16xi32, #tpu.memory_space<vmem>>
        %dma_start3A_44 = tpu.memref_squeeze %dma_start3A : memref<1x16xi32, #tpu.memory_space<vmem>> -> memref<16xi32, #tpu.memory_space<vmem>>
        %dma_start3A_45 = arith.constant 0 : i32
        %dma_start3A_46 = tpu.memref_slice %arg9[%dma_start3A_45] : memref<16xf32, #tpu.memory_space<vmem_shared>> -> memref<16xf32, #tpu.memory_space<vmem_shared>>
        tpu.enqueue_indirect_dma source(%arg8 : memref<16xf32, #tpu.memory_space<vmem>>) target(%dma_start3A_46 : memref<16xf32, #tpu.memory_space<vmem_shared>>) offsets(%dma_start3A_44 : memref<16xi32, #tpu.memory_space<vmem>>) semaphore(%run_scoped3A_43 : memref<!tpu.dma_semaphore, #tpu.memory_space<semaphore_mem>>) {add = true}
        %dma_wait3A = tpu.memref_slice %arg7[%run_scoped3A, %mul3A_36] : memref<1x16384xi32, #tpu.memory_space<vmem>> -> memref<1x16xi32, #tpu.memory_space<vmem>>
        %dma_wait3A_47 = tpu.memref_squeeze %dma_wait3A : memref<1x16xi32, #tpu.memory_space<vmem>> -> memref<16xi32, #tpu.memory_space<vmem>>
        %dma_wait3A_48 = arith.constant 0 : i32
        %dma_wait3A_49 = tpu.memref_slice %arg9[%dma_wait3A_48] : memref<16xf32, #tpu.memory_space<vmem_shared>> -> memref<16xf32, #tpu.memory_space<vmem_shared>>
        tpu.wait_indirect_dma semaphore(%run_scoped3A_43 : memref<!tpu.dma_semaphore, #tpu.memory_space<semaphore_mem>>) src(%arg8 : memref<16xf32, #tpu.memory_space<vmem>>) dst(%dma_wait3A_49 : memref<16xf32, #tpu.memory_space<vmem_shared>>)
        tpu.yield
      }) : () -> ()
      %mul3A_37 = arith.constant 16 : i32
      %mul3A_38 = arith.muli %add3A_34, %mul3A_37 : i32
      %run_scoped3A_39 = arith.constant 0 : i32
      "tpu.region"() ({
        %run_scoped3A_43 = tpu.sem_alloc : memref<!tpu.dma_semaphore, #tpu.memory_space<semaphore_mem>>
        %dma_start3A = tpu.memref_slice %arg5[%mul3A_38] : memref<16384xf32, #tpu.memory_space<vmem>> -> memref<16xf32, #tpu.memory_space<vmem>>
        %dma_start3A_44 = tpu.memref_slice %arg7[%run_scoped3A_39, %mul3A_36] : memref<1x16384xi32, #tpu.memory_space<vmem>> -> memref<1x16xi32, #tpu.memory_space<vmem>>
        %dma_start3A_45 = tpu.memref_squeeze %dma_start3A_44 : memref<1x16xi32, #tpu.memory_space<vmem>> -> memref<16xi32, #tpu.memory_space<vmem>>
        %dma_start3A_46 = arith.constant 0 : i32
        %dma_start3A_47 = tpu.memref_slice %arg10[%dma_start3A_46] : memref<16xf32, #tpu.memory_space<vmem_shared>> -> memref<16xf32, #tpu.memory_space<vmem_shared>>
        tpu.enqueue_indirect_dma source(%dma_start3A : memref<16xf32, #tpu.memory_space<vmem>>) target(%dma_start3A_47 : memref<16xf32, #tpu.memory_space<vmem_shared>>) offsets(%dma_start3A_45 : memref<16xi32, #tpu.memory_space<vmem>>) semaphore(%run_scoped3A_43 : memref<!tpu.dma_semaphore, #tpu.memory_space<semaphore_mem>>) {add = true}
        %dma_wait3A = tpu.memref_slice %arg5[%mul3A_38] : memref<16384xf32, #tpu.memory_space<vmem>> -> memref<16xf32, #tpu.memory_space<vmem>>
        %dma_wait3A_48 = tpu.memref_slice %arg7[%run_scoped3A_39, %mul3A_36] : memref<1x16384xi32, #tpu.memory_space<vmem>> -> memref<1x16xi32, #tpu.memory_space<vmem>>
        %dma_wait3A_49 = tpu.memref_squeeze %dma_wait3A_48 : memref<1x16xi32, #tpu.memory_space<vmem>> -> memref<16xi32, #tpu.memory_space<vmem>>
        %dma_wait3A_50 = arith.constant 0 : i32
        %dma_wait3A_51 = tpu.memref_slice %arg10[%dma_wait3A_50] : memref<16xf32, #tpu.memory_space<vmem_shared>> -> memref<16xf32, #tpu.memory_space<vmem_shared>>
        tpu.wait_indirect_dma semaphore(%run_scoped3A_43 : memref<!tpu.dma_semaphore, #tpu.memory_space<semaphore_mem>>) src(%dma_wait3A : memref<16xf32, #tpu.memory_space<vmem>>) dst(%dma_wait3A_51 : memref<16xf32, #tpu.memory_space<vmem_shared>>)
        tpu.yield
      }) : () -> ()
      %mul3A_40 = arith.constant 16 : i32
      %mul3A_41 = arith.muli %add3A_34, %mul3A_40 : i32
      %run_scoped3A_42 = arith.constant 0 : i32
      "tpu.region"() ({
        %run_scoped3A_43 = tpu.sem_alloc : memref<!tpu.dma_semaphore, #tpu.memory_space<semaphore_mem>>
        %dma_start3A = tpu.memref_slice %arg6[%mul3A_41] : memref<16384xf32, #tpu.memory_space<vmem>> -> memref<16xf32, #tpu.memory_space<vmem>>
        %dma_start3A_44 = tpu.memref_slice %arg7[%run_scoped3A_42, %mul3A_36] : memref<1x16384xi32, #tpu.memory_space<vmem>> -> memref<1x16xi32, #tpu.memory_space<vmem>>
        %dma_start3A_45 = tpu.memref_squeeze %dma_start3A_44 : memref<1x16xi32, #tpu.memory_space<vmem>> -> memref<16xi32, #tpu.memory_space<vmem>>
        %dma_start3A_46 = arith.constant 0 : i32
        %dma_start3A_47 = tpu.memref_slice %arg11[%dma_start3A_46] : memref<16xf32, #tpu.memory_space<vmem_shared>> -> memref<16xf32, #tpu.memory_space<vmem_shared>>
        tpu.enqueue_indirect_dma source(%dma_start3A : memref<16xf32, #tpu.memory_space<vmem>>) target(%dma_start3A_47 : memref<16xf32, #tpu.memory_space<vmem_shared>>) offsets(%dma_start3A_45 : memref<16xi32, #tpu.memory_space<vmem>>) semaphore(%run_scoped3A_43 : memref<!tpu.dma_semaphore, #tpu.memory_space<semaphore_mem>>) {add = true}
        %dma_wait3A = tpu.memref_slice %arg6[%mul3A_41] : memref<16384xf32, #tpu.memory_space<vmem>> -> memref<16xf32, #tpu.memory_space<vmem>>
        %dma_wait3A_48 = tpu.memref_slice %arg7[%run_scoped3A_42, %mul3A_36] : memref<1x16384xi32, #tpu.memory_space<vmem>> -> memref<1x16xi32, #tpu.memory_space<vmem>>
        %dma_wait3A_49 = tpu.memref_squeeze %dma_wait3A_48 : memref<1x16xi32, #tpu.memory_space<vmem>> -> memref<16xi32, #tpu.memory_space<vmem>>
        %dma_wait3A_50 = arith.constant 0 : i32
        %dma_wait3A_51 = tpu.memref_slice %arg11[%dma_wait3A_50] : memref<16xf32, #tpu.memory_space<vmem_shared>> -> memref<16xf32, #tpu.memory_space<vmem_shared>>
        tpu.wait_indirect_dma semaphore(%run_scoped3A_43 : memref<!tpu.dma_semaphore, #tpu.memory_space<semaphore_mem>>) src(%dma_wait3A : memref<16xf32, #tpu.memory_space<vmem>>) dst(%dma_wait3A_51 : memref<16xf32, #tpu.memory_space<vmem_shared>>)
        tpu.yield
      }) : () -> ()
    }
    %scan3A_23 = arith.constant 1024 : i32
    %barrier3A_24 = arith.constant 0 : index
    tpu.barrier barrier_id(%barrier3A_24)
    %eq3A_25 = arith.constant 0 : i32
    %eq3A_26 = arith.cmpi eq, %arg1, %eq3A_25 : i32
    %convert_element_type3A_27 = arith.extui %eq3A_26 : i1 to i32
    %cond3A_28 = arith.constant 0 : i32
    %cond3A_29 = arith.cmpi ne, %convert_element_type3A_27, %cond3A_28 : i32
    scf.if %cond3A_29 {
      "tpu.region"() ({
        %run_scoped3A = tpu.sem_alloc : memref<!tpu.dma_semaphore, #tpu.memory_space<semaphore_mem>>
        tpu.enqueue_dma source(%arg9 : memref<16xf32, #tpu.memory_space<vmem_shared>>) target(%arg8 : memref<16xf32, #tpu.memory_space<vmem>>) target_semaphore(%run_scoped3A : memref<!tpu.dma_semaphore, #tpu.memory_space<semaphore_mem>>)
        tpu.wait_dma2 semaphore(%run_scoped3A : memref<!tpu.dma_semaphore, #tpu.memory_space<semaphore_mem>>) src(%arg9 : memref<16xf32, #tpu.memory_space<vmem_shared>>) dst(%arg8 : memref<16xf32, #tpu.memory_space<vmem>>)
        tpu.yield
      }) : () -> ()
      %mul3A_30 = arith.constant 48 : i32
      %mul3A_31 = arith.muli %arg0, %mul3A_30 : i32
      "tpu.region"() ({
        %run_scoped3A = tpu.sem_alloc : memref<!tpu.dma_semaphore, #tpu.memory_space<semaphore_mem>>
        %dma_start3A = tpu.memref_slice %arg4[%mul3A_31] : memref<96xf32, #tpu.memory_space<hbm>> -> memref<16xf32, #tpu.memory_space<hbm>>
        %dma_start3A_40 = tpu.memref_slice %arg4[%mul3A_31] : memref<96xf32, #tpu.memory_space<hbm>> -> memref<16xf32, #tpu.memory_space<hbm>>
        tpu.enqueue_dma source(%arg8 : memref<16xf32, #tpu.memory_space<vmem>>) target(%dma_start3A_40 : memref<16xf32, #tpu.memory_space<hbm>>) target_semaphore(%run_scoped3A : memref<!tpu.dma_semaphore, #tpu.memory_space<semaphore_mem>>)
        %dma_wait3A = tpu.memref_slice %arg4[%mul3A_31] : memref<96xf32, #tpu.memory_space<hbm>> -> memref<16xf32, #tpu.memory_space<hbm>>
        %dma_wait3A_41 = tpu.memref_slice %arg4[%mul3A_31] : memref<96xf32, #tpu.memory_space<hbm>> -> memref<16xf32, #tpu.memory_space<hbm>>
        tpu.wait_dma2 semaphore(%run_scoped3A : memref<!tpu.dma_semaphore, #tpu.memory_space<semaphore_mem>>) src(%arg8 : memref<16xf32, #tpu.memory_space<vmem>>) dst(%dma_wait3A_41 : memref<16xf32, #tpu.memory_space<hbm>>)
        tpu.yield
      }) : () -> ()
      "tpu.region"() ({
        %run_scoped3A = tpu.sem_alloc : memref<!tpu.dma_semaphore, #tpu.memory_space<semaphore_mem>>
        tpu.enqueue_dma source(%arg10 : memref<16xf32, #tpu.memory_space<vmem_shared>>) target(%arg8 : memref<16xf32, #tpu.memory_space<vmem>>) target_semaphore(%run_scoped3A : memref<!tpu.dma_semaphore, #tpu.memory_space<semaphore_mem>>)
        tpu.wait_dma2 semaphore(%run_scoped3A : memref<!tpu.dma_semaphore, #tpu.memory_space<semaphore_mem>>) src(%arg10 : memref<16xf32, #tpu.memory_space<vmem_shared>>) dst(%arg8 : memref<16xf32, #tpu.memory_space<vmem>>)
        tpu.yield
      }) : () -> ()
      %mul3A_32 = arith.constant 48 : i32
      %mul3A_33 = arith.muli %arg0, %mul3A_32 : i32
      %add3A_34 = arith.constant 16 : i32
      %add3A_35 = arith.addi %mul3A_33, %add3A_34 : i32
      "tpu.region"() ({
        %run_scoped3A = tpu.sem_alloc : memref<!tpu.dma_semaphore, #tpu.memory_space<semaphore_mem>>
        %dma_start3A = tpu.memref_slice %arg4[%add3A_35] : memref<96xf32, #tpu.memory_space<hbm>> -> memref<16xf32, #tpu.memory_space<hbm>>
        %dma_start3A_40 = tpu.memref_slice %arg4[%add3A_35] : memref<96xf32, #tpu.memory_space<hbm>> -> memref<16xf32, #tpu.memory_space<hbm>>
        tpu.enqueue_dma source(%arg8 : memref<16xf32, #tpu.memory_space<vmem>>) target(%dma_start3A_40 : memref<16xf32, #tpu.memory_space<hbm>>) target_semaphore(%run_scoped3A : memref<!tpu.dma_semaphore, #tpu.memory_space<semaphore_mem>>)
        %dma_wait3A = tpu.memref_slice %arg4[%add3A_35] : memref<96xf32, #tpu.memory_space<hbm>> -> memref<16xf32, #tpu.memory_space<hbm>>
        %dma_wait3A_41 = tpu.memref_slice %arg4[%add3A_35] : memref<96xf32, #tpu.memory_space<hbm>> -> memref<16xf32, #tpu.memory_space<hbm>>
        tpu.wait_dma2 semaphore(%run_scoped3A : memref<!tpu.dma_semaphore, #tpu.memory_space<semaphore_mem>>) src(%arg8 : memref<16xf32, #tpu.memory_space<vmem>>) dst(%dma_wait3A_41 : memref<16xf32, #tpu.memory_space<hbm>>)
        tpu.yield
      }) : () -> ()
      "tpu.region"() ({
        %run_scoped3A = tpu.sem_alloc : memref<!tpu.dma_semaphore, #tpu.memory_space<semaphore_mem>>
        tpu.enqueue_dma source(%arg11 : memref<16xf32, #tpu.memory_space<vmem_shared>>) target(%arg8 : memref<16xf32, #tpu.memory_space<vmem>>) target_semaphore(%run_scoped3A : memref<!tpu.dma_semaphore, #tpu.memory_space<semaphore_mem>>)
        tpu.wait_dma2 semaphore(%run_scoped3A : memref<!tpu.dma_semaphore, #tpu.memory_space<semaphore_mem>>) src(%arg11 : memref<16xf32, #tpu.memory_space<vmem_shared>>) dst(%arg8 : memref<16xf32, #tpu.memory_space<vmem>>)
        tpu.yield
      }) : () -> ()
      %mul3A_36 = arith.constant 48 : i32
      %mul3A_37 = arith.muli %arg0, %mul3A_36 : i32
      %add3A_38 = arith.constant 32 : i32
      %add3A_39 = arith.addi %mul3A_37, %add3A_38 : i32
      "tpu.region"() ({
        %run_scoped3A = tpu.sem_alloc : memref<!tpu.dma_semaphore, #tpu.memory_space<semaphore_mem>>
        %dma_start3A = tpu.memref_slice %arg4[%add3A_39] : memref<96xf32, #tpu.memory_space<hbm>> -> memref<16xf32, #tpu.memory_space<hbm>>
        %dma_start3A_40 = tpu.memref_slice %arg4[%add3A_39] : memref<96xf32, #tpu.memory_space<hbm>> -> memref<16xf32, #tpu.memory_space<hbm>>
        tpu.enqueue_dma source(%arg8 : memref<16xf32, #tpu.memory_space<vmem>>) target(%dma_start3A_40 : memref<16xf32, #tpu.memory_space<hbm>>) target_semaphore(%run_scoped3A : memref<!tpu.dma_semaphore, #tpu.memory_space<semaphore_mem>>)
        %dma_wait3A = tpu.memref_slice %arg4[%add3A_39] : memref<96xf32, #tpu.memory_space<hbm>> -> memref<16xf32, #tpu.memory_space<hbm>>
        %dma_wait3A_41 = tpu.memref_slice %arg4[%add3A_39] : memref<96xf32, #tpu.memory_space<hbm>> -> memref<16xf32, #tpu.memory_space<hbm>>
        tpu.wait_dma2 semaphore(%run_scoped3A : memref<!tpu.dma_semaphore, #tpu.memory_space<semaphore_mem>>) src(%arg8 : memref<16xf32, #tpu.memory_space<vmem>>) dst(%dma_wait3A_41 : memref<16xf32, #tpu.memory_space<hbm>>)
        tpu.yield
      }) : () -> ()
    } else {
    }
    return
  }
}

module attributes {stable_mosaic.version = 14 : i64} {
  func.func @_rows_kernel(%arg0: i32, %arg1: memref<16384x100xf32, #tpu.memory_space<vmem>>, %arg2: memref<1x1x16384xi32, #tpu.memory_space<vmem>>, %arg3: memref<1x1x16384xf32, #tpu.memory_space<vmem>>, %arg4: memref<1x1x16384xf32, #tpu.memory_space<vmem>>) attributes {dimension_semantics = [#tpu.dimension_semantics<arbitrary>], iteration_bounds = array<i64: 32>, scalar_prefetch = 0 : i64, scratch_operands = 0 : i64, tpu.core_type = #tpu.core_type<tc>, window_params = [{transform_indices = @transform_0, window_bounds = array<i64: 16384, 100>}, {transform_indices = @transform_1, window_bounds = array<i64: 1, 1, 16384>}, {transform_indices = @transform_2, window_bounds = array<i64: 1, 1, 16384>}, {transform_indices = @transform_3, window_bounds = array<i64: 1, 1, 16384>}]} {
    %get3A = arith.constant 0 : index
    %get3A_0 = arith.constant 0 : index
    %get3A_1 = vector.load %arg1[%get3A, %get3A_0] : memref<16384x100xf32, #tpu.memory_space<vmem>>, vector<16384x100xf32>
    %reduce_max3A = arith.constant dense<0xFF800000> : vector<16384xf32>
    %reduce_max3A_2 = vector.multi_reduction <maximumf>, %get3A_1, %reduce_max3A [1] : vector<16384x100xf32> to vector<16384xf32>
    %broadcast_in_dim3A = vector.shape_cast %reduce_max3A_2 : vector<16384xf32> to vector<16384x1xf32>
    %sub3A = vector.broadcast %broadcast_in_dim3A : vector<16384x1xf32> to vector<16384x100xf32>
    %sub3A_3 = arith.subf %get3A_1, %sub3A : vector<16384x100xf32>
    %exp3A = math.exp %sub3A_3 : vector<16384x100xf32>
    %eq3A = vector.broadcast %broadcast_in_dim3A : vector<16384x1xf32> to vector<16384x100xf32>
    %eq3A_4 = arith.cmpf oeq, %get3A_1, %eq3A : vector<16384x100xf32>
    %convert_element_type3A = arith.extui %eq3A_4 : vector<16384x100xi1> to vector<16384x100xi32>
    %convert_element_type3A_5 = arith.sitofp %convert_element_type3A : vector<16384x100xi32> to vector<16384x100xf32>
    %convert_element_type3A_6 = arith.truncf %convert_element_type3A_5 : vector<16384x100xf32> to vector<16384x100xbf16>
    %convert_element_type3A_7 = arith.truncf %exp3A : vector<16384x100xf32> to vector<16384x100xbf16>
    %convert_element_type3A_8 = arith.extf %convert_element_type3A_7 : vector<16384x100xbf16> to vector<16384x100xf32>
    %sub3A_9 = arith.subf %exp3A, %convert_element_type3A_8 : vector<16384x100xf32>
    %convert_element_type3A_10 = arith.truncf %sub3A_9 : vector<16384x100xf32> to vector<16384x100xbf16>
    %broadcast_in_dim3A_11 = arith.constant 1.000000e+00 : bf16
    %broadcast_in_dim3A_12 = vector.broadcast %broadcast_in_dim3A_11 : bf16 to vector<1x100xbf16>
    %iota3A = tpu.iota {dimensions = array<i32: 1>} : vector<1x100xi32>
    %convert_element_type3A_13 = arith.sitofp %iota3A : vector<1x100xi32> to vector<1x100xbf16>
    %dot_general3A = arith.constant dense<0.000000e+00> : vector<1x16384xf32>
    %dot_general3A_14 = tpu.matmul %broadcast_in_dim3A_12, %convert_element_type3A_7, %dot_general3A {dimension_numbers = #tpu.dot_dimension_numbers<[1], [1], [0], [0], [0, 0, 1, 0], [], []>, transpose_lhs_hint = false} : vector<1x100xbf16>, vector<16384x100xbf16>, vector<1x16384xf32> -> vector<1x16384xf32>
    %dot_general3A_15 = arith.constant dense<0.000000e+00> : vector<1x16384xf32>
    %dot_general3A_16 = tpu.matmul %broadcast_in_dim3A_12, %convert_element_type3A_10, %dot_general3A_15 {dimension_numbers = #tpu.dot_dimension_numbers<[1], [1], [0], [0], [0, 0, 1, 0], [], []>, transpose_lhs_hint = false} : vector<1x100xbf16>, vector<16384x100xbf16>, vector<1x16384xf32> -> vector<1x16384xf32>
    %add3A = arith.addf %dot_general3A_14, %dot_general3A_16 : vector<1x16384xf32>
    %dot_general3A_17 = arith.constant dense<0.000000e+00> : vector<1x16384xf32>
    %dot_general3A_18 = tpu.matmul %convert_element_type3A_13, %convert_element_type3A_6, %dot_general3A_17 {dimension_numbers = #tpu.dot_dimension_numbers<[1], [1], [0], [0], [0, 0, 1, 0], [], []>, transpose_lhs_hint = false} : vector<1x100xbf16>, vector<16384x100xbf16>, vector<1x16384xf32> -> vector<1x16384xf32>
    %div3A = arith.constant 1.000000e+00 : f32
    %div3A_19 = vector.broadcast %div3A : f32 to vector<1x16384xf32>
    %div3A_20 = arith.divf %div3A_19, %add3A : vector<1x16384xf32>
    %reshape3A = vector.shape_cast %div3A_20 : vector<1x16384xf32> to vector<1x1x16384xf32>
    %swap3A = arith.constant 0 : index
    %swap3A_21 = arith.constant 0 : index
    %swap3A_22 = arith.constant 0 : index
    %swap3A_23 = vector.load %arg3[%swap3A, %swap3A_21, %swap3A_22] : memref<1x1x16384xf32, #tpu.memory_space<vmem>>, vector<1x1x16384xf32>
    tpu.vector_store %arg3[%swap3A, %swap3A_21, %swap3A_22], %reshape3A {strides = array<i32>} : memref<1x1x16384xf32, #tpu.memory_space<vmem>>, vector<1x1x16384xf32>,
    %get3A_24 = arith.constant 0 : index
    %get3A_25 = arith.constant 0 : index
    %get3A_26 = arith.constant 0 : index
    %get3A_27 = vector.load %arg2[%get3A_24, %get3A_25, %get3A_26] : memref<1x1x16384xi32, #tpu.memory_space<vmem>>, vector<1x1x16384xi32>
    %get3A_28 = vector.shape_cast %get3A_27 : vector<1x1x16384xi32> to vector<1x16384xi32>
    %convert_element_type3A_29 = arith.sitofp %get3A_28 : vector<1x16384xi32> to vector<1x16384xf32>
    %eq3A_30 = arith.cmpf oeq, %dot_general3A_18, %convert_element_type3A_29 : vector<1x16384xf32>
    %convert_element_type3A_31 = arith.extui %eq3A_30 : vector<1x16384xi1> to vector<1x16384xi32>
    %convert_element_type3A_32 = arith.sitofp %convert_element_type3A_31 : vector<1x16384xi32> to vector<1x16384xf32>
    %reshape3A_33 = vector.shape_cast %convert_element_type3A_32 : vector<1x16384xf32> to vector<1x1x16384xf32>
    %swap3A_34 = arith.constant 0 : index
    %swap3A_35 = arith.constant 0 : index
    %swap3A_36 = arith.constant 0 : index
    %swap3A_37 = vector.load %arg4[%swap3A_34, %swap3A_35, %swap3A_36] : memref<1x1x16384xf32, #tpu.memory_space<vmem>>, vector<1x1x16384xf32>
    tpu.vector_store %arg4[%swap3A_34, %swap3A_35, %swap3A_36], %reshape3A_33 {strides = array<i32>} : memref<1x1x16384xf32, #tpu.memory_space<vmem>>, vector<1x1x16384xf32>,
    return
  }
  func.func @transform_0(%arg0: i32) -> (i32, i32) {
    %c0_i32 = arith.constant 0 : i32
    %c0_i32_0 = arith.constant 0 : i32
    return %arg0, %c0_i32 : i32, i32
  }
  func.func @transform_1(%arg0: i32) -> (i32, i32, i32) {
    %c0_i32 = arith.constant 0 : i32
    %c0_i32_0 = arith.constant 0 : i32
    %c0_i32_1 = arith.constant 0 : i32
    return %arg0, %c0_i32, %c0_i32_0 : i32, i32, i32
  }
  func.func @transform_2(%arg0: i32) -> (i32, i32, i32) {
    %c0_i32 = arith.constant 0 : i32
    %c0_i32_0 = arith.constant 0 : i32
    %c0_i32_1 = arith.constant 0 : i32
    return %arg0, %c0_i32, %c0_i32_0 : i32, i32, i32
  }
  func.func @transform_3(%arg0: i32) -> (i32, i32, i32) {
    %c0_i32 = arith.constant 0 : i32
    %c0_i32_0 = arith.constant 0 : i32
    %c0_i32_1 = arith.constant 0 : i32
    return %arg0, %c0_i32, %c0_i32_0 : i32, i32, i32
  }
}

module attributes {stable_mosaic.version = 14 : i64} {
  func.func @_combine_kernel(%arg0: i32, %arg1: memref<2x48xf32, #tpu.memory_space<vmem>>, %arg2: memref<1x1xf32, #tpu.memory_space<vmem>>) attributes {dimension_semantics = [#tpu.dimension_semantics<arbitrary>], iteration_bounds = array<i64: 1>, scalar_prefetch = 0 : i64, scratch_operands = 0 : i64, tpu.core_type = #tpu.core_type<tc>, window_params = [{pipeline_mode = #tpu.pipeline_mode<synchronous>, transform_indices = @transform_0, window_bounds = array<i64: 2, 48>}, {pipeline_mode = #tpu.pipeline_mode<synchronous>, transform_indices = @transform_1, window_bounds = array<i64: 1, 1>}]} {
    %get3A = arith.constant 0 : index
    %get3A_0 = arith.constant 0 : index
    %get3A_1 = vector.load %arg1[%get3A, %get3A_0] : memref<2x48xf32, #tpu.memory_space<vmem>>, vector<2x48xf32>
    %reduce_sum3A = arith.constant dense<0.000000e+00> : vector<48xf32>
    %reduce_sum3A_2 = vector.multi_reduction <add>, %get3A_1, %reduce_sum3A [0] : vector<2x48xf32> to vector<48xf32>
    %broadcast_in_dim3A = vector.shape_cast %reduce_sum3A_2 : vector<48xf32> to vector<1x48xf32>
    %slice3A = vector.extract_strided_slice %broadcast_in_dim3A {offsets = [0, 0], sizes = [1, 15], strides = [1, 1]} : vector<1x48xf32> to vector<1x15xf32>
    %slice3A_3 = vector.extract_strided_slice %broadcast_in_dim3A {offsets = [0, 16], sizes = [1, 15], strides = [1, 1]} : vector<1x48xf32> to vector<1x15xf32>
    %slice3A_4 = vector.extract_strided_slice %broadcast_in_dim3A {offsets = [0, 32], sizes = [1, 15], strides = [1, 1]} : vector<1x48xf32> to vector<1x15xf32>
    %max3A = arith.constant 1.000000e+00 : f32
    %max3A_5 = vector.broadcast %max3A : f32 to vector<1x15xf32>
    %max3A_6 = arith.maximumf %slice3A, %max3A_5 : vector<1x15xf32>
    %sub3A = arith.subf %slice3A_3, %slice3A_4 : vector<1x15xf32>
    %abs3A = math.absf %sub3A : vector<1x15xf32>
    %div3A = arith.divf %abs3A, %max3A_6 : vector<1x15xf32>
    %mul3A = arith.constant 1.90734863E-6 : f32
    %mul3A_7 = vector.broadcast %mul3A : f32 to vector<1x15xf32>
    %mul3A_8 = arith.mulf %slice3A, %mul3A_7 : vector<1x15xf32>
    %mul3A_9 = arith.mulf %div3A, %mul3A_8 : vector<1x15xf32>
    %gt3A = arith.constant 0.000000e+00 : f32
    %gt3A_10 = vector.broadcast %gt3A : f32 to vector<1x15xf32>
    %gt3A_11 = arith.cmpf ogt, %slice3A, %gt3A_10 : vector<1x15xf32>
    %jit3A = arith.constant 0.000000e+00 : f32
    %broadcast_in_dim3A_12 = vector.broadcast %jit3A : f32 to vector<1x15xf32>
    %select_n3A = arith.select %gt3A_11, %mul3A_9, %broadcast_in_dim3A_12 : vector<1x15xi1>, vector<1x15xf32>
    %reduce_sum3A_13 = arith.constant dense<0.000000e+00> : vector<1xf32>
    %reduce_sum3A_14 = vector.multi_reduction <add>, %select_n3A, %reduce_sum3A_13 [1] : vector<1x15xf32> to vector<1xf32>
    %broadcast_in_dim3A_15 = vector.shape_cast %reduce_sum3A_14 : vector<1xf32> to vector<1x1xf32>
    %swap3A = arith.constant 0 : index
    %swap3A_16 = arith.constant 0 : index
    %swap3A_17 = vector.load %arg2[%swap3A, %swap3A_16] : memref<1x1xf32, #tpu.memory_space<vmem>>, vector<1x1xf32>
    tpu.vector_store %arg2[%swap3A, %swap3A_16], %broadcast_in_dim3A_15 {strides = array<i32>} : memref<1x1xf32, #tpu.memory_space<vmem>>, vector<1x1xf32>,
    return
  }
  func.func @transform_0(%arg0: i32) -> (i32, i32) {
    %c0_i32 = arith.constant 0 : i32
    %c0_i32_0 = arith.constant 0 : i32
    %c0_i32_1 = arith.constant 0 : i32
    return %c0_i32, %c0_i32_0 : i32, i32
  }
  func.func @transform_1(%arg0: i32) -> (i32, i32) {
    %c0_i32 = arith.constant 0 : i32
    %c0_i32_0 = arith.constant 0 : i32
    %c0_i32_1 = arith.constant 0 : i32
    return %c0_i32, %c0_i32_0 : i32, i32
  }
}

</mosaic_0001>

<sc_bundles>
// kernel: kernel.5.cloned.1.call-start
scs
__scs_entry_jumppad:
0x0: {  	(pc) =	sbr.rel $0x88, $3  }
0x1: {  	(tag) =	ssettag $0x0;
	lr =	simm.s32 $0x1  }
0x2: {  	[smem:$0x3F9F] =	sst lr;
	_ =	strace $0xD0000000  }
0x3: {  	_ = 	snop  }
0x4: {  	_ = 	snop  }
0x5: {  	_ = 	snop  }
0x6: {  	_ = 	snop  }
0x7: {  	_ = 	snop  }
__scs_overlays_trampoline_lowered:
0x8: {  	[smem:$0x3FAE] =	sst s0  }
0x9: {  	[smem:$0x3FAF] =	sst s1  }
0xa: {  	[smem:$0x3FB0] =	sst s2  }
0xb: {  	[smem:$0x3FB1] =	sst s3  }
0xc: {  	[smem:$0x3FB2] =	sst s4  }
0xd: {  	[smem:$0x3FB3] =	sst s5  }
0xe: {  	[smem:$0x3FB4] =	sst s6  }
0xf: {  	[smem:$0x3FB5] =	sst s7  }
0x10: {  	[smem:$0x3FB6] =	sst s8  }
0x11: {  	[smem:$0x3FB7] =	sst s9;
	s0 =	simm.s32 @!p0 $0x0  }
0x12: {  	s1 =	sld [smem:$0x3F9D];
	s0 =	simm.s32 @p0 $0x1  }
0x13: {  	[smem:$0x3FB8] =	sst s0;
	s0 =	simm.s32 @!p1 $0x0  }
0x14: {  	s2 =	sld [smem:$0x3F9C];
	s0 =	simm.s32 @p1 $0x1  }
0x15: {  	[smem:$0x3FB9] =	sst s0;
	s0 =	simm.s32 @!p2 $0x0  }
0x16: {  	s3 =	sld [smem:$0x3FDB];
	s0 =	simm.s32 @p2 $0x1  }
0x17: {  	s4 =	simm.s32 $0x1BF5;
	[smem:$0x3FBB] =	sst s0  }
0x18: {  	s0 =	sld [smem:$0x3F9E];
	_ =	swait.ge [sflag:s4], $0x0  }
0x19: {  	s7 =	sld [smem:$0x3F9F]  }
0x1a: {  	s8 =	sadd.s32 $0xFFFFE003, lr  }
0x1b: {  	s9 =	sadd.s32 $0xFFFFFEF7, lr;
	s5 =	simm.s32 $0xFFFFFFFF;
	p2 =	slt.u32 s8, $0xFFFFF086  }
0x1c: {  	p1 =	slt.u32 s9, $0xF7A;
	s5 =	simm.s32 @!p2 $0x0  }
0x1d: {  	s5 =	simm.s32 @p1 $0x1;
	p0 =	seq.s32 s7, s2  }
0x1e: {  	s7 =	smul.u32 @!p0 $0xF7A, s2;
	p2 =	seq.s32 @!p0 s5, $0x0  }
0x1f: {  	s9 =	smul.u32 $0xF7A, s1;
	s8 =	simm.s32 @!p0 $0x1BF5;
	p2 =	por !p2, p0  }
0x20: {  	[sflag:s8] =	ssyncset.s32 @!p0 $0xFFFFF086;
	s6 =	sadd.s32 @!p0 s3, s7;
	s7 =	simm.s32 @!p0 $0x108  }
0x21: {  	s3 =	sadd.s32 s3, s9;
	s6 =	sadd.s32 @!p0 $0x88, s6;
	s7 =	simm.s32 @p2 $0x1082  }
0x22: {  	[simem:s7], [sflag:s8] =	dma.local @!p0 [hbm:s6], $0xF7A  }
0x23: {  	s9 =	sor.u32 $0xD0000000, s2;
	s6 =	simm.s32 $0x108;
	_ =	swait.ge @!p0 [sflag:s8], $0x0  }
0x24: {  	s3 =	sadd.s32 $0x88, s3;
	s6 =	simm.s32 @!p1 $0x1082;
	[sflag:s4] =	ssyncset.s32 $0xFFFFF086  }
0x25: {  	[simem:s6], [sflag:s4] =	dma.local [hbm:s3], $0xF7A  }
0x26: {  	[smem:$0x3F9F] =	sst s1;
	(tag) =	ssettag s2;
	_ =	strace s9  }
0x27: {  	s1 =	sld [smem:$0x3FAF]  }
0x28: {  	s2 =	sld [smem:$0x3FB0]  }
0x29: {  	s4 =	sld [smem:$0x3FB2]  }
0x2a: {  	p0 =	seq.s32 s5, $0x0;
	s5 =	sld [smem:$0x3FB3]  }
0x2b: {  	s6 =	sld [smem:$0x3FB4]  }
0x2c: {  	s7 =	sld [smem:$0x3FB5]  }
0x2d: {  	s3 =	simm.s32 $0x108;
	s8 =	sld [smem:$0x3FB6]  }
0x2e: {  	s3 =	simm.s32 @!p0 $0x1082;
	s9 =	sld [smem:$0x3FB7]  }
0x2f: {  	lr =	sadd.s32 s0, s3;
	s0 =	sld [smem:$0x3FAE]  }
0x30: {  	s3 =	sld [smem:$0x3FB1]  }
0x31: {  	[smem:$0x3FBA] =	sst s10  }
0x32: {  	s10 =	sld [smem:$0x3FB8];
	_ =	sdelay $0x3  }
0x33: {  	p0 =	seq.s32 s10, $0x1;
	s10 =	sld [smem:$0x3FBA];
	_ =	sdelay $0x3  }
0x34: {  	[smem:$0x3FBA] =	sst s10  }
0x35: {  	s10 =	sld [smem:$0x3FB9];
	_ =	sdelay $0x3  }
0x36: {  	p1 =	seq.s32 s10, $0x1;
	s10 =	sld [smem:$0x3FBA];
	_ =	sdelay $0x3  }
0x37: {  	[smem:$0x3FBA] =	sst s10  }
0x38: {  	s10 =	sld [smem:$0x3FBB]  }
0x39: {  	_ = 	snop;
	(pc) =	sbr.ind lr, $3  }
0x3a: {  	_ = 	snop  }
0x3b: {  	_ = 	snop  }
0x3c: {  	p2 =	seq.s32 s10, $0x1;
	s10 =	sld [smem:$0x3FBA]  }
0x3d: {  	_ =	shalt  }
0x3e: {  	_ =	shalt  }
0x3f: {  	_ =	shalt  }
0x40: {  	_ =	shalt  }
0x41: {  	_ =	shalt  }
0x42: {  	_ =	shalt  }
0x43: {  	_ =	shalt  }
0x44: {  	_ =	shalt  }
0x45: {  	_ =	shalt  }
0x46: {  	_ =	shalt  }
0x47: {  	_ =	shalt  }
0x48: {  	_ =	shalt  }
0x49: {  	_ =	shalt  }
0x4a: {  	_ =	shalt  }
0x4b: {  	_ =	shalt  }
0x4c: {  	_ =	shalt  }
0x4d: {  	_ =	shalt  }
0x4e: {  	_ =	shalt  }
0x4f: {  	_ =	shalt  }
0x50: {  	_ =	shalt  }
0x51: {  	_ =	shalt  }
0x52: {  	_ =	shalt  }
0x53: {  	_ =	shalt  }
0x54: {  	_ =	shalt  }
0x55: {  	_ =	shalt  }
0x56: {  	_ =	shalt  }
0x57: {  	_ =	shalt  }
0x58: {  	_ =	shalt  }
0x59: {  	_ =	shalt  }
0x5a: {  	_ =	shalt  }
0x5b: {  	_ =	shalt  }
0x5c: {  	_ =	shalt  }
0x5d: {  	_ =	shalt  }
0x5e: {  	_ =	shalt  }
0x5f: {  	_ =	shalt  }
0x60: {  	_ =	shalt  }
0x61: {  	_ =	shalt  }
0x62: {  	_ =	shalt  }
0x63: {  	_ =	shalt  }
0x64: {  	_ =	shalt  }
0x65: {  	_ =	shalt  }
0x66: {  	_ =	shalt  }
0x67: {  	_ =	shalt  }
0x68: {  	_ =	shalt  }
0x69: {  	_ =	shalt  }
0x6a: {  	_ =	shalt  }
0x6b: {  	_ =	shalt  }
0x6c: {  	_ =	shalt  }
0x6d: {  	_ =	shalt  }
0x6e: {  	_ =	shalt  }
0x6f: {  	_ =	shalt  }
0x70: {  	_ =	shalt  }
0x71: {  	_ =	shalt  }
0x72: {  	_ =	shalt  }
0x73: {  	_ =	shalt  }
0x74: {  	_ =	shalt  }
0x75: {  	_ =	shalt  }
0x76: {  	_ =	shalt  }
0x77: {  	_ =	shalt  }
0x78: {  	_ =	shalt  }
0x79: {  	_ =	shalt  }
0x7a: {  	_ =	shalt  }
0x7b: {  	_ =	shalt  }
0x7c: {  	_ =	shalt  }
0x7d: {  	_ =	shalt  }
0x7e: {  	_ =	shalt  }
0x7f: {  	_ =	shalt  }
0x80: {  	_ =	shalt  }
0x81: {  	_ =	shalt  }
0x82: {  	_ =	shalt  }
0x83: {  	_ =	shalt  }
0x84: {  	_ =	shalt  }
0x85: {  	_ =	shalt  }
0x86: {  	_ =	shalt  }
0x87: {  	_ =	shalt  }
.Lfunc_end0:
.L_simem_size_0:
called_computation_lowered:
.L_overlay_start_0:
0x88: {  	s2 =	sld [smem:$0x3FD9]  }
0x89: {  	s3 =	sld [smem:$0x3FFE];
	_ =	sdelay $0x1  }
0x8a: {  	s1 =	srdreg.scid  }
0x8b: {  	s0 =	sand.u32 $0x1, s1  }
0x8c: {  	s17 =	sshll.u32 s0, $0xA;
	s2 =	sadd.s32 s3, s2  }
0x8d: {  	s2 =	sadd.s32 s2, s17  }
0x8e: {  	[smem:$0x3FC6] =	sst s2  }
0x8f: {  	_ = 	snop  }
0x90: {  	s2 =	sld [smem:$0x3FD0];
	(tm) =	ssettm $0x1  }
0x91: {  	s18 =	sld [smem:$0x3FFB];
	_ =	sdelay $0x3  }
0x92: {  	_ =	strace s18  }
0x93: {  	s3 =	sld [smem:$0x3FFC];
	_ =	sdelay $0x3  }
0x94: {  	_ =	strace s3  }
0x95: {  	s3 =	sld [smem:$0x3FFD];
	_ =	sdelay $0x3  }
0x96: {  	_ =	strace s3  }
0x97: {  	_ =	strace $0x8FFFFFFF  }
0x98: {  	s19 =	sld [smem:$0x3FDB];
	_ =	sdelay $0x1  }
0x99: {  	s4 =	simm.s32 $_scs_section_size  }
0x9a: {  	s5 =	simm.s32 $_size__tile_overlayer_lowered;
	s6 =	simm.s32 $_tile_overlayer_lowered  }
0x9b: {  	s22 =	simm.s32 $0x1BFF;
	s21 =	sshll.u32 s6, $0x1;
	s3 =	sadd.s32 s4, s19  }
0x9c: {  	s7 =	simm.s32 $0x0;
	s20 =	sshll.u32 s5, $0x1;
	s5 =	sadd.s32 s21, s3  }
0x9d: {  	[timem:s7], [sflag:s22] =	dma.local [hbm:s5], s20  }
0x9e: {  	_ =	swait.ge [sflag:s22], s20  }
0x9f: {  	s4 =	ssub.s32 $0x0, s20;
	[sflag:s22] =	ssyncset.done $0x0  }
0xa0: {  	[sflag:s22] =	ssyncadd.s32 s4;
	_ =	sdelay $0x1  }
0xa1: {  	s23 =	simm.s32 $0x1B8B  }
0xa2: {  	_ =	swait.ge [sflag:s23], $0x1  }
0xa3: {  	[sflag:s23] =	ssyncset.done $0x0  }
0xa4: {  	s25 =	simm.s32 $0x1B8E;
	s24 =	sld [smem:$0x3FFE];
	[sflag:s23] =	ssyncadd.s32 $0xFFFFFFFF  }
0xa5: {  	s26 =	simm.s32 $execute0_lowered;
	[smem:$0x3FD2] =	sst s25  }
0xa6: {  	s5 =	sshll.u32 s26, $0x1;
	_ =	strace $0x80000046;
	[dreg:$0x1] =	wrdreg $0xFFFFFFFF  }
0xa7: {  	s28 =	simm.s32 $_size_execute0_lowered;
	s3 =	sadd.s32 s3, s5;
	[dreg:$0x0] =	wrdreg $0x0  }
0xa8: {  	s5 =	sshll.u32 s28, $0x1;
	[dreg:$0x2] =	wrdreg s3  }
0xa9: {  	[dreg:$0x3] =	wrdreg s5  }
0xaa: {  	[dreg:$0x4] =	wrdreg $0xC0  }
0xab: {  	_ =	task [dreg:s7], $0x5FFFF  }
0xac: {  	[dreg:$0x1] =	wrdreg $0xFFFFFFFF  }
0xad: {  	[dreg:$0x0] =	wrdreg $0x60  }
0xae: {  	[dreg:$0x2] =	wrdreg s24  }
0xaf: {  	[dreg:$0x3] =	wrdreg s2  }
0xb0: {  	[dreg:$0x4] =	wrdreg $0xC0800  }
0xb1: {  	[dreg:$0x5] =	wrdreg $0xC0880  }
0xb2: {  	[dreg:$0x6] =	wrdreg $0xC0900  }
0xb3: {  	[dreg:$0x7] =	wrdreg $0x9  }
0xb4: {  	_ =	task.clear_ibuf [dreg:s7], $0x8FFFF;
	_ =	strace $0x90000046  }
0xb5: {  	s29 =	simm.s32 $0x9;
	_ =	strace $0x80000048  }
0xb6: {  	_ =	swait.ge [sflag:s29], $0x1  }
0xb7: {  	[sflag:s29] =	ssyncadd.s32 $0xFFFFFFFF  }
0xb8: {  	_ =	strace $0x90000048  }
0xb9: {  	_ =	sfence  }
0xba: {  	s30 =	sld [smem:$0x0];
	_ =	sdelay $0x2  }
0xbb: {  	s31 =	sshll.u32 s1, $0xD;
	s1 =	sshrl.u32 s1, $0x2  }
0xbc: {  	s3 =	sand.u32 $0x4000, s31;
	s1 =	sadd.s32 s1, s30  }
0xbd: {  	s0 =	sor.u32 s3, s0;
	s1 =	sshll.u32 s1, $0x11  }
0xbe: {  	s0 =	sor.u32 s1, s0  }
0xbf: {  	s0 =	sadd.s32 $0x8F2B, s0  }
0xc0: {  	[sflag:s0] =	ssyncadd.remote.s32 $0x1  }
0xc1: {  	_ =	sfence.sel $0xFFFF  }
0xc2: {  	[dreg:$0x0] =	wrdreg $0xFFFFFFFF;
	(pc) =	sbr.abs _section_cstart, $3  }
0xc3: {  	[dreg:$0x1] =	wrdreg $0xFFFFFFFF  }
0xc4: {  	_ =	task.clear_ibuf [dreg:s7], $0x2FFFF;
	_ =	strace $0x9FFFFFFF  }
0xc5: {  	(tm) =	ssettm $0x7FFFFFFF  }
tec
execute0_lowered:
.L_overlay_start_1:
0x0: {  	(tag) =	ssettag $0x1  }
0x1: {  	s5 =	rddreg [dreg:$0x0]  }
0x2: {  	s7 =	rddreg [dreg:$0x1]  }
0x3: {  	s1 =	rddreg [dreg:$0x2]  }
0x4: {  	s2 =	rddreg [dreg:$0x3]  }
0x5: {  	s3 =	rddreg [dreg:$0x4]  }
0x6: {  	s0 =	rddreg [dreg:$0x5]  }
0x7: {  	s4 =	simm.s32 $0x0;
	s6 =	srdreg.scid;
	s11 =	stileid.u32  }
0x8: {  	s12 =	simm.s32 $0x4000;
	s13 =	simm.s32 $0x10;
	s14 =	simm.s32 $0xC000  }
0x9: {  	s15 =	simm.s32 $0x0;
	[smem:$0x7FF] =	sst s4;
	s6 =	sand.u32 $0x1, s6  }
0xa: {  	s8 =	sshll.u32 s11, $0xC;
	p0 =	sne.s32 s11, $0x0;
	s11 =	simm.s32 $0x1  }
0xb: {  	s9 =	sshll.u32 s6, $0xB;
	s10 =	ssub.s32 $0x2, s6;
	s6 =	smul.u32 $0x30, s6  }
0xc: {  	_ =	strace $0x80000047;
	s8 =	sor.u32 s9, s8;
	s30 =	sshrl.u32 s10, $0x1  }
0xd: {  	s8 =	sadd.s32 s8, s5;
	s10 =	ssub.s32 s10, s30;
	s31 =	sshrl.u32 s6, $0x3  }
0xe: {  	s5 =	sadd.s32 $0xC00, s8;
	s6 =	sadd.s32 $0x10C00, s8;
	s7 =	sadd.s32 s7, s31  }
0xf: {  	v0 =	vimm.f32 $0.0e+00;
	v1 =	vimm.f32 $1.000000000e+00;
	v2 =	vimm.s32 $0x0;
	s10 =	smax.u32 s10, $0x1;
	s8 =	sadd.s32 $0x2, s7;
	s9 =	sadd.s32 $0x4, s7  }
.LBB2_1:
0x10: {  	[tilespmem:s4], [sflag:$0x1] =	stream.linear.gather [hbm4b:s5+s4], $0x4000, $0x38;
	[tilespmem:$0xC098] =	vst v63  }
0x11: {  	_ =	swait.ge [sflag:s11], $0x4000  }
0x12: {  	[sflag:s11] =	ssyncset.done $0x0  }
0x13: {  	[sflag:s11] =	ssyncadd.s32 $0xFFFFC000  }
0x14: {  	[tilespmem:s12], [sflag:$0x1] =	stream.linear.gather [hbm4b:s6+s4], $0x4000, $0x38;
	[tilespmem:$0xC098] =	vst v63  }
0x15: {  	_ =	swait.ge [sflag:s11], $0x4000  }
0x16: {  	[sflag:s11] =	ssyncset.done $0x0  }
0x17: {  	[sflag:s11] =	ssyncadd.s32 $0xFFFFC000  }
0x18: {  	s16 =	simm.s32 @!p0 $0xC000;
	s17 =	simm.s32 @!p0 $0x1;
	[tilespmem:$0xC000] =	vst v0  }
0x19: {  	[spmem:s1] =	stream.linear.scatter @!p0 [tilespmem:s16], [sflag:$0x1], $0x80, $0x38;
	[tilespmem:$0xC098] =	vst v63  }
0x1a: {  	_ =	swait.ge @!p0 [sflag:s17], $0x80  }
0x1b: {  	[sflag:s17] =	ssyncset.done @!p0 $0x0  }
0x1c: {  	[sflag:s17] =	ssyncadd.s32 @!p0 $0xFFFFFF80  }
0x1d: {  	[spmem:s2] =	stream.linear.scatter @!p0 [tilespmem:s16], [sflag:$0x1], $0x80, $0x38;
	[tilespmem:$0xC098] =	vst v63  }
0x1e: {  	_ =	swait.ge @!p0 [sflag:s17], $0x80  }
0x1f: {  	[sflag:s17] =	ssyncset.done @!p0 $0x0  }
0x20: {  	[sflag:s17] =	ssyncadd.s32 @!p0 $0xFFFFFF80  }
0x21: {  	[spmem:s3] =	stream.linear.scatter @!p0 [tilespmem:s16], [sflag:$0x1], $0x80, $0x38;
	[tilespmem:$0xC098] =	vst v63  }
0x22: {  	_ =	swait.ge @!p0 [sflag:s17], $0x80  }
0x23: {  	[sflag:s17] =	ssyncset.done @!p0 $0x0  }
0x24: {  	[sflag:s17] =	ssyncadd.s32 @!p0 $0xFFFFFF80  }
0x25: {  	[bflag:$0x0] =	sbarrier.arrive $0xFFFF  }
0x26: {  	s16 =	simm.s32 $0x0;
	[tilespmem:$0xC000] =	vst v1  }
0x27: {  	v3 =	vld [tilespmem:s16+$0x0];
	_ =	sdelay $0x4  }
0x28: {  	vm0 =	vgt.f32 v3, $6.666667010e-02;
	vm1 =	vgt.f32 v3, $1.333333400e-01  }
0x29: {  	v4 =	vsel vm0, $0x1, v2;
	v5 =	vsel vm1, $0x1, v2;
	vm0 =	vgt.f32 v3, $2.000000030e-01  }
0x2a: {  	v4 =	vadd.s32 v5, v4;
	v5 =	vsel vm0, $0x1, v2;
	vm0 =	vgt.f32 v3, $2.666666810e-01  }
0x2b: {  	v4 =	vadd.s32 v5, v4;
	v5 =	vsel vm0, $0x1, v2;
	vm0 =	vgt.f32 v3, $3.333333430e-01  }
0x2c: {  	v4 =	vadd.s32 v5, v4;
	v5 =	vsel vm0, $0x1, v2;
	vm0 =	vgt.f32 v3, $4.000000060e-01  }
0x2d: {  	v4 =	vadd.s32 v5, v4;
	v5 =	vsel vm0, $0x1, v2;
	vm0 =	vgt.f32 v3, $4.666666690e-01  }
0x2e: {  	v4 =	vadd.s32 v5, v4;
	v5 =	vsel vm0, $0x1, v2;
	vm0 =	vgt.f32 v3, $5.333333610e-01  }
0x2f: {  	v4 =	vadd.s32 v5, v4;
	v5 =	vsel vm0, $0x1, v2;
	vm0 =	vgt.f32 v3, $6.000000240e-01  }
0x30: {  	s18 =	simm.s32 $0x80;
	s17 =	simm.s32 $0x10;
	v4 =	vadd.s32 v5, v4;
	v5 =	vsel vm0, $0x1, v2;
	vm0 =	vgt.f32 v3, $6.666666860e-01  }
.LBB2_2:
0x31: {  	p1 =	sne.s32 s18, $0xFFC0;
	v6 =	vld [tilespmem:s17+$0x0];
	v4 =	vadd.s32 v5, v4;
	v5 =	vsel vm0, $0x1, v2;
	vm0 =	vgt.f32 v3, $7.333333490e-01  }
0x32: {  	v4 =	vadd.s32 v5, v4;
	v5 =	vsel vm0, $0x1, v2;
	vm0 =	vgt.f32 v3, $8.000000110e-01  }
0x33: {  	v4 =	vadd.s32 v5, v4;
	v5 =	vsel vm0, $0x1, v2;
	vm0 =	vgt.f32 v3, $8.666666740e-01  }
0x34: {  	v4 =	vadd.s32 v5, v4;
	v5 =	vsel vm0, $0x1, v2;
	vm0 =	vgt.f32 v3, $9.333333370e-01  }
0x35: {  	v5 =	vadd.s32 v5, v4;
	v4 =	vsel vm0, $0x1, v2  }
0x36: {  	vm0 =	vgt.f32 v6, $6.666667010e-02;
	vm1 =	vgt.f32 v6, $1.333333400e-01;
	v4 =	vadd.s32 v4, v5;
	v3 =	vmovc v6  }
0x37: {  	v5 =	vsel vm0, $0x1, v2;
	v6 =	vsel vm1, $0x1, v2;
	vm0 =	vgt.f32 v3, $2.000000030e-01;
	[tilespmem:s16+$0x8000] =	vst v4;
	s16 =	smov.u32 s17  }
0x38: {  	v4 =	vadd.s32 v6, v5;
	v5 =	vsel vm0, $0x1, v2;
	vm0 =	vgt.f32 v3, $2.666666810e-01  }
0x39: {  	v4 =	vadd.s32 v5, v4;
	v5 =	vsel vm0, $0x1, v2;
	vm0 =	vgt.f32 v3, $3.333333430e-01  }
.Ltmp0:
0x3a: {  	v4 =	vadd.s32 v5, v4;
	v5 =	vsel vm0, $0x1, v2;
	vm0 =	vgt.f32 v3, $4.000000060e-01;
	(pc) =	sbr.rel @p1 .LBB2_2-.Ltmp0, $4  }
0x3b: {  	v4 =	vadd.s32 v5, v4;
	v5 =	vsel vm0, $0x1, v2;
	vm0 =	vgt.f32 v3, $4.666666690e-01  }
0x3c: {  	v4 =	vadd.s32 v5, v4;
	v5 =	vsel vm0, $0x1, v2;
	vm0 =	vgt.f32 v3, $5.333333610e-01  }
0x3d: {  	v4 =	vadd.s32 v5, v4;
	v5 =	vsel vm0, $0x1, v2;
	vm0 =	vgt.f32 v3, $6.000000240e-01  }
0x3e: {  	s17 =	sshra.s32 s18, $0x2;
	s18 =	sadd.s32 $0x40, s18;
	v4 =	vadd.s32 v5, v4;
	v5 =	vsel vm0, $0x1, v2;
	vm0 =	vgt.f32 v3, $6.666666860e-01  }
0x3f: {  	v6 =	vld [tilespmem:s17+$0x0]  }
0x40: {  	v4 =	vadd.s32 v5, v4;
	v47 =	vsel vm0, $0x1, v2;
	vm11 =	vgt.f32 v3, $7.333333490e-01  }
0x41: {  	vm12 =	vgt.f32 v3, $8.000000110e-01;
	v4 =	vadd.s32 v47, v4;
	v48 =	vsel vm11, $0x1, v2  }
0x42: {  	v49 =	vsel vm12, $0x1, v2;
	vm11 =	vgt.f32 v3, $8.666666740e-01;
	v4 =	vadd.s32 v48, v4  }
0x43: {  	v60 =	vsel vm11, $0x1, v2;
	v4 =	vadd.s32 v49, v4  }
0x44: {  	v4 =	vadd.s32 v60, v4;
	vm13 =	vgt.f32 v6, $6.666667010e-02  }
0x45: {  	vm1 =	vgt.f32 v6, $1.333333400e-01;
	vm14 =	vgt.f32 v6, $2.000000030e-01;
	vm15 =	vgt.f32 v6, $2.666666810e-01  }
0x46: {  	vm4 =	vgt.f32 v6, $3.333333430e-01;
	v7 =	vsel vm13, $0x1, v2;
	v8 =	vsel vm1, $0x1, v2  }
0x47: {  	vm5 =	vgt.f32 v6, $4.000000060e-01;
	v50 =	vsel vm14, $0x1, v2;
	v7 =	vadd.s32 v8, v7  }
0x48: {  	vm6 =	vgt.f32 v6, $4.666666690e-01;
	v51 =	vsel vm15, $0x1, v2;
	v7 =	vadd.s32 v50, v7  }
0x49: {  	vm7 =	vgt.f32 v6, $5.333333610e-01;
	v52 =	vsel vm4, $0x1, v2;
	v7 =	vadd.s32 v51, v7  }
0x4a: {  	vm8 =	vgt.f32 v6, $6.000000240e-01;
	v53 =	vsel vm5, $0x1, v2;
	v7 =	vadd.s32 v52, v7  }
0x4b: {  	vm9 =	vgt.f32 v6, $6.666666860e-01;
	v54 =	vsel vm6, $0x1, v2;
	v7 =	vadd.s32 v53, v7  }
0x4c: {  	vm10 =	vgt.f32 v6, $7.333333490e-01;
	v55 =	vsel vm7, $0x1, v2;
	v7 =	vadd.s32 v54, v7  }
0x4d: {  	vm12 =	vgt.f32 v6, $8.000000110e-01;
	v56 =	vsel vm8, $0x1, v2;
	v7 =	vadd.s32 v55, v7  }
0x4e: {  	v57 =	vsel vm9, $0x1, v2;
	v59 =	vsel vm10, $0x1, v2;
	v7 =	vadd.s32 v56, v7  }
0x4f: {  	vm13 =	vgt.f32 v3, $9.333333370e-01;
	v3 =	vsel vm12, $0x1, v2;
	v58 =	vadd.s32 v57, v7  }
0x50: {  	vm14 =	vgt.f32 v6, $8.666666740e-01;
	vm15 =	vgt.f32 v6, $9.333333370e-01;
	v5 =	vadd.s32 v59, v58  }
0x51: {  	v61 =	vsel vm13, $0x1, v2;
	v62 =	vsel vm14, $0x1, v2;
	v3 =	vadd.s32 v3, v5  }
0x52: {  	v63 =	vsel vm15, $0x1, v2;
	v4 =	vadd.s32 v61, v4;
	v3 =	vadd.s32 v62, v3  }
0x53: {  	[tilespmem:s16+$0x8000] =	vst v4;
	v3 =	vadd.s32 v63, v3  }
0x54: {  	s29 =	simm.s32 $0x8000;
	[tilespmem:s17+$0x8000] =	vst v3  }
0x55: {  	[spmem:s1] =	stream.indirect.scatter.add.f32 [tilespmem:s14], [sflag:$0x1], $0x1, s29, s13, $0xb8;
	[tilespmem:$0xC098] =	vst v63  }
0x56: {  	_ =	swait.ge [sflag:s11], $0x10  }
0x57: {  	[sflag:s11] =	ssyncset.done $0x0  }
0x58: {  	s30 =	simm.s32 $0x0;
	[sflag:s11] =	ssyncadd.s32 $0xFFFFFFF0  }
0x59: {  	[spmem:s2] =	stream.indirect.scatter.add.f32 [tilespmem:s30], [sflag:$0x1], $0x1, s29, s13, $0xb8;
	[tilespmem:$0xC098] =	vst v63  }
0x5a: {  	_ =	swait.ge [sflag:s11], $0x10  }
0x5b: {  	[sflag:s11] =	ssyncset.done $0x0  }
0x5c: {  	s31 =	simm.s32 $0x4000;
	[sflag:s11] =	ssyncadd.s32 $0xFFFFFFF0  }
0x5d: {  	[spmem:s3] =	stream.indirect.scatter.add.f32 [tilespmem:s31], [sflag:$0x1], $0x1, s29, s13, $0xb8;
	[tilespmem:$0xC098] =	vst v63  }
0x5e: {  	_ =	swait.ge [sflag:s11], $0x10  }
0x5f: {  	s16 =	simm.s32 $0x10;
	s17 =	simm.s32 $0x80;
	[sflag:s11] =	ssyncset.done $0x0  }
.LBB2_4:
0x60: {  	s18 =	sadd.s32 $0x8000, s16  }
0x61: {  	[sflag:s11] =	ssyncadd.s32 $0xFFFFFFF0;
	s19 =	smov.u32 s17;
	s20 =	sadd.s32 $0x40, s17  }
0x62: {  	[spmem:s1] =	stream.indirect.scatter.add.f32 [tilespmem:s14], [sflag:$0x1], $0x1, s18, s13, $0xb8;
	[tilespmem:$0xC098] =	vst v63  }
0x63: {  	p1 =	sne.s32 s17, $0xFFC0;
	_ =	swait.ge [sflag:s11], $0x10  }
0x64: {  	[sflag:s11] =	ssyncset.done $0x0  }
0x65: {  	[sflag:s11] =	ssyncadd.s32 $0xFFFFFFF0  }
0x66: {  	[spmem:s2] =	stream.indirect.scatter.add.f32 [tilespmem:s16], [sflag:$0x1], $0x1, s18, s13, $0xb8;
	[tilespmem:$0xC098] =	vst v63  }
0x67: {  	_ =	swait.ge [sflag:s11], $0x10  }
.Ltmp1:
0x68: {  	[sflag:s11] =	ssyncset.done $0x0;
	(pc) =	sbr.rel @p1 .LBB2_4-.Ltmp1, $4  }
0x69: {  	s16 =	sadd.s32 $0x4000, s16;
	[sflag:s11] =	ssyncadd.s32 $0xFFFFFFF0  }
0x6a: {  	[spmem:s3] =	stream.indirect.scatter.add.f32 [tilespmem:s16], [sflag:$0x1], $0x1, s18, s13, $0xb8;
	[tilespmem:$0xC098] =	vst v63  }
0x6b: {  	_ =	swait.ge [sflag:s11], $0x10  }
0x6c: {  	s17 =	smov.u32 s20;
	s16 =	sshra.s32 s19, $0x2;
	[sflag:s11] =	ssyncset.done $0x0  }
0x6d: {  	s17 =	sadd.s32 $0x8000, s16;
	[sflag:s11] =	ssyncadd.s32 $0xFFFFFFF0  }
0x6e: {  	[spmem:s1] =	stream.indirect.scatter.add.f32 [tilespmem:s14], [sflag:$0x1], $0x1, s17, s13, $0xb8;
	[tilespmem:$0xC098] =	vst v63  }
0x6f: {  	_ =	swait.ge [sflag:s11], $0x10  }
0x70: {  	[sflag:s11] =	ssyncset.done $0x0  }
0x71: {  	[sflag:s11] =	ssyncadd.s32 $0xFFFFFFF0  }
0x72: {  	[spmem:s2] =	stream.indirect.scatter.add.f32 [tilespmem:s16], [sflag:$0x1], $0x1, s17, s13, $0xb8;
	[tilespmem:$0xC098] =	vst v63  }
0x73: {  	_ =	swait.ge [sflag:s11], $0x10  }
0x74: {  	[sflag:s11] =	ssyncset.done $0x0  }
0x75: {  	s31 =	sadd.s32 $0x4000, s16;
	[sflag:s11] =	ssyncadd.s32 $0xFFFFFFF0  }
0x76: {  	[spmem:s3] =	stream.indirect.scatter.add.f32 [tilespmem:s31], [sflag:$0x1], $0x1, s17, s13, $0xb8;
	[tilespmem:$0xC098] =	vst v63  }
0x77: {  	_ =	swait.ge [sflag:s11], $0x10  }
0x78: {  	[sflag:s11] =	ssyncset.done $0x0  }
0x79: {  	[sflag:s11] =	ssyncadd.s32 $0xFFFFFFF0  }
0x7a: {  	s16 =	simm.s32 @!p0 $0xC000;
	s17 =	simm.s32 @!p0 $0x1;
	[bflag:$0x0] =	sbarrier.arrive $0xFFFF  }
0x7b: {  	[tilespmem:s16], [sflag:$0x1] =	stream.linear.gather @!p0 [spmem:s1], $0x80, $0x38;
	[tilespmem:$0xC098] =	vst v63  }
0x7c: {  	_ =	swait.ge @!p0 [sflag:s17], $0x80  }
0x7d: {  	[sflag:s17] =	ssyncset.done @!p0 $0x0  }
0x7e: {  	s18 =	simm.s32 @!p0 $0x0;
	[sflag:s17] =	ssyncadd.s32 @!p0 $0xFFFFFF80  }
0x7f: {  	[hbm4b:s7+s18] =	stream.linear.scatter @!p0 [tilespmem:s16], [sflag:$0x1], $0x10, $0x38;
	[tilespmem:$0xC098] =	vst v63  }
0x80: {  	_ =	swait.ge @!p0 [sflag:s17], $0x10  }
0x81: {  	[sflag:s17] =	ssyncset.done @!p0 $0x0  }
0x82: {  	[sflag:s17] =	ssyncadd.s32 @!p0 $0xFFFFFFF0  }
0x83: {  	[tilespmem:s16], [sflag:$0x1] =	stream.linear.gather @!p0 [spmem:s2], $0x80, $0x38;
	[tilespmem:$0xC098] =	vst v63  }
0x84: {  	_ =	swait.ge @!p0 [sflag:s17], $0x80  }
0x85: {  	[sflag:s17] =	ssyncset.done @!p0 $0x0  }
0x86: {  	[sflag:s17] =	ssyncadd.s32 @!p0 $0xFFFFFF80  }
0x87: {  	[hbm4b:s8+s18] =	stream.linear.scatter @!p0 [tilespmem:s16], [sflag:$0x1], $0x10, $0x38;
	[tilespmem:$0xC098] =	vst v63  }
0x88: {  	_ =	swait.ge @!p0 [sflag:s17], $0x10  }
0x89: {  	[sflag:s17] =	ssyncset.done @!p0 $0x0  }
0x8a: {  	[sflag:s17] =	ssyncadd.s32 @!p0 $0xFFFFFFF0  }
0x8b: {  	[tilespmem:s16], [sflag:$0x1] =	stream.linear.gather @!p0 [spmem:s3], $0x80, $0x38;
	[tilespmem:$0xC098] =	vst v63  }
0x8c: {  	s15 =	sadd.s32 $0x1, s15;
	_ =	swait.ge @!p0 [sflag:s17], $0x80  }
0x8d: {  	p1 =	sne.s32 s15, s10;
	[sflag:s17] =	ssyncset.done @!p0 $0x0  }
.Ltmp2:
0x8e: {  	[sflag:s17] =	ssyncadd.s32 @!p0 $0xFFFFFF80;
	(pc) =	sbr.rel @p1 .LBB2_1-.Ltmp2, $4  }
0x8f: {  	[hbm4b:s9+s18] =	stream.linear.scatter @!p0 [tilespmem:s16], [sflag:$0x1], $0x10, $0x38;
	[tilespmem:$0xC098] =	vst v63  }
0x90: {  	_ =	swait.ge @!p0 [sflag:s17], $0x10  }
0x91: {  	[sflag:s17] =	ssyncset.done @!p0 $0x0  }
0x92: {  	[sflag:s17] =	ssyncadd.s32 @!p0 $0xFFFFFFF0  }
0x93: {  	_ =	sfence.sel $0x180000  }
0x94: {  	[bflag:$0x0] =	sbarrier.arrive $0xFFFF  }
0x95: {  	_ =	strace $0x90000047  }
0x96: {  	s0 =	sadd.s32 @!p0 $0x100000, s0;
	[bflag:$0x2] =	sbarrier.arrive $0xFFFF  }
0x97: {  	[sflag:s0] =	ssyncadd.tile.s32 @!p0 $0x1;
	_ =	shalt  }
.Lfunc_end2:
_tile_overlayer_lowered:
.L_overlay_start_2:
0x98: {  	(tag) =	ssettag $0x2  }
0x99: {  	s0 =	rddreg [dreg:$0x0];
	s2 =	stileid.u32  }
0x9a: {  	s1 =	rddreg [dreg:$0x1];
	p0 =	sne.s32 s2, $0x0  }
0x9b: {  	s3 =	rddreg [dreg:$0x2];
	[bflag:$0x3] =	sbarrier.arrive $0xFFFF;
	s2 =	simm.s32 @!p0 $0x1C01  }
0x9c: {  	[timem:s3], [sflag:s2] =	dma.local @!p0 [hbm:s0], s1  }
0x9d: {  	s0 =	simm.s32 @!p0 $0x1  }
0x9e: {  	_ =	swait.ge @!p0 [sflag:s0], s1  }
0x9f: {  	s1 =	ssub.s32 @!p0 $0x0, s1;
	[sflag:s0] =	ssyncset.done @!p0 $0x0  }
0xa0: {  	[sflag:s0] =	ssyncadd.s32 @!p0 s1  }
0xa1: {  	[bflag:$0x3] =	sbarrier.arrive $0xFFFF  }
0xa2: {  	_ =	shalt  }

</sc_bundles>
